<compile_context>
chip_gen: v7x
topology: tpu7x:2x2x1
jax: 0.10.2.dev20260603
libtpu: 0.0.44.dev20260713+nightly
codegen_flags: <defaults>
</compile_context>

<pallas_src>
import jax
import jax.numpy as jnp
from jax import lax
from jax.experimental import pallas as pl
from jax.experimental.pallas import tpu as pltpu
from jax.experimental.pallas import tpu_sc as plsc

B = 16384
D_NUM = 13
N_CAT = 26
CARD = 1000
D_TOKEN = 64
TOTAL_CAT = N_CAT * CARD
N_TOK = 1 + D_NUM + N_CAT

NUM_ROWS = (1 + D_NUM) * D_TOKEN
OUT_ROWS = N_TOK * D_TOKEN

SC_CORES = 2
SC_SUBCORES = 16
NW = SC_CORES * SC_SUBCORES
COLS_PER_W = B // NW
BLK = 256
N_BLK = COLS_PER_W // BLK
N_UNIT = N_CAT * N_BLK
W_IDX = N_CAT * COLS_PER_W


TAB_W = 128


def _prep_kernel(emb_ref, bias_ref, xcat_ref, tab_ref, idx_ref):
    tab_ref[...] = emb_ref[...] + bias_ref[...]
    offs = lax.broadcasted_iota(jnp.int32, (N_CAT, B), 0) * CARD
    idx_ref[...] = xcat_ref[...] + offs


def _prep(cat_emb_p, bias_cat_p, x_cat_t):
    emb3 = cat_emb_p.reshape(N_CAT, CARD, TAB_W)
    bias3 = bias_cat_p.reshape(N_CAT, 1, TAB_W)
    tab3, idx = pl.pallas_call(
        _prep_kernel,
        out_shape=(
            jax.ShapeDtypeStruct((N_CAT, CARD, TAB_W), jnp.float32),
            jax.ShapeDtypeStruct((N_CAT, B), jnp.int32),
        ),
    )(emb3, bias3, x_cat_t)
    return tab3.reshape(TOTAL_CAT, TAB_W), idx.reshape(N_CAT * B)


def _sc_body(
    tab_ref,
    idx_ref,
    out_ref,
    idx_v,
    rows_a,
    rows_b,
    tp_a,
    tp_b,
    sg_a,
    sg_b,
    so_a,
    so_b,
):
    wid = lax.axis_index("s") * SC_CORES + lax.axis_index("c")
    col0 = wid * COLS_PER_W

    def stage(c, carry):
        pltpu.sync_copy(
            idx_ref.at[pl.ds(c * B + col0, COLS_PER_W)],
            idx_v.at[pl.ds(c * COLS_PER_W, COLS_PER_W)],
        )
        return carry

    lax.fori_loop(0, N_CAT, stage, 0)

    d_iotas = [lax.iota(jnp.int32, 16) + 16 * dk for dk in range(D_TOKEN // 16)]

    def start_gather(u, rows_v, sem):
        c = u // N_BLK
        j = u % N_BLK
        pltpu.async_copy(
            tab_ref.at[idx_v.at[pl.ds(c * COLS_PER_W + j * BLK, BLK)]],
            rows_v,
            sem,
        )

    def transpose(rows_v, tp_v):
        @plsc.parallel_loop(
            0, BLK, step=1, unroll=16, carry=jnp.zeros((16,), jnp.int32)
        )
        def _(r, rvec):
            for dk in range(D_TOKEN // 16):
                plsc.store_scatter(
                    tp_v,
                    [d_iotas[dk], rvec],
                    rows_v[r, pl.ds(16 * dk, 16)],
                )
            return rvec + 1

    def out_slice(u):
        c = u // N_BLK
        j = u % N_BLK
        return out_ref.at[
            pl.ds(NUM_ROWS + c * D_TOKEN, D_TOKEN),
            pl.ds(col0 + j * BLK, BLK),
        ]

    def start_out(u, tp_v, sem):
        pltpu.async_copy(tp_v.at[:, pl.ds(0, BLK)], out_slice(u), sem)

    def wait_out(u, tp_v, sem):
        pltpu.make_async_copy(tp_v.at[:, pl.ds(0, BLK)], out_slice(u), sem).wait()

    def wait_gather(rows_v, sem):
        pltpu.make_async_copy(
            tab_ref.at[idx_v.at[pl.ds(0, BLK)]], rows_v, sem
        ).wait()

    start_gather(0, rows_a, sg_a)

    def pair(p, carry):
        u0 = 2 * p
        u1 = u0 + 1
        start_gather(u1, rows_b, sg_b)
        wait_gather(rows_a, sg_a)

        @pl.when(p > 0)
        def _():
            wait_out(u0, tp_a, so_a)

        transpose(rows_a, tp_a)
        start_out(u0, tp_a, so_a)

        @pl.when(p < N_UNIT // 2 - 1)
        def _():
            start_gather(u0 + 2, rows_a, sg_a)

        wait_gather(rows_b, sg_b)

        @pl.when(p > 0)
        def _():
            wait_out(u1, tp_b, so_b)

        transpose(rows_b, tp_b)
        start_out(u1, tp_b, so_b)
        return carry

    lax.fori_loop(0, N_UNIT // 2, pair, 0)
    wait_out(0, tp_a, so_a)
    wait_out(0, tp_b, so_b)


def _sc_gather(table, idx_flat):
    mesh = plsc.VectorSubcoreMesh(core_axis_name="c", subcore_axis_name="s")
    f = pl.kernel(
        _sc_body,
        out_type=jax.ShapeDtypeStruct((OUT_ROWS, B), jnp.float32),
        mesh=mesh,
        scratch_types=[
            pltpu.VMEM((W_IDX,), jnp.int32),
            pltpu.VMEM((BLK, TAB_W), jnp.float32),
            pltpu.VMEM((BLK, TAB_W), jnp.float32),
            pltpu.VMEM((D_TOKEN, BLK + 1), jnp.float32),
            pltpu.VMEM((D_TOKEN, BLK + 1), jnp.float32),
            pltpu.SemaphoreType.DMA,
            pltpu.SemaphoreType.DMA,
            pltpu.SemaphoreType.DMA,
            pltpu.SemaphoreType.DMA,
        ],
        compiler_params=pltpu.CompilerParams(needs_layout_passes=False),
    )
    return f(table, idx_flat)


def _num_kernel(x_ref, w_ref, b_ref, alias_ref, o_ref):
    del alias_ref
    o_ref[...] = (
        w_ref[0, 0][:, None] * x_ref[0, 0][None, :] + b_ref[0, 0][:, None]
    )


def _num_finish(xf_t, weight, bias_num, out0):
    bs = 1024
    w3 = weight.reshape(1 + D_NUM, 1, D_TOKEN)
    b3 = bias_num.reshape(1 + D_NUM, 1, D_TOKEN)
    xf3 = xf_t.reshape(1 + D_NUM, 1, B)
    return pl.pallas_call(
        _num_kernel,
        grid=(1 + D_NUM, B // bs),
        in_specs=[
            pl.BlockSpec((1, 1, bs), lambda t, i: (t, 0, i)),
            pl.BlockSpec((1, 1, D_TOKEN), lambda t, i: (t, 0, 0)),
            pl.BlockSpec((1, 1, D_TOKEN), lambda t, i: (t, 0, 0)),
            pl.BlockSpec(memory_space=pl.ANY),
        ],
        out_specs=pl.BlockSpec((D_TOKEN, bs), lambda t, i: (t, i)),
        out_shape=jax.ShapeDtypeStruct((OUT_ROWS, B), jnp.float32),
        input_output_aliases={3: 0},
    )(xf3, w3, b3, out0)


def kernel(x_num, x_cat, weight, bias, cat_emb):
    x_cat_t = x_cat.T
    xf_t = jnp.concatenate(
        [jnp.ones((1, B), jnp.float32), x_num.T], axis=0
    )
    bias_num = jnp.concatenate(
        [jnp.zeros((1, D_TOKEN), jnp.float32), bias[:D_NUM]], axis=0
    )
    cat_emb_p = jnp.pad(cat_emb, ((0, 0), (0, TAB_W - D_TOKEN)))
    bias_cat_p = jnp.pad(bias[D_NUM:], ((0, 0), (0, TAB_W - D_TOKEN)))
    table, idx_flat = _prep(cat_emb_p, bias_cat_p, x_cat_t)
    out0 = _sc_gather(table, idx_flat)
    out2d = _num_finish(xf_t, weight, bias_num, out0)
    return out2d.reshape(N_TOK, D_TOKEN, B).transpose(2, 0, 1)

# --- scband reference (transcript-rebuilt; emitter-appended) ---
"""Pipeline reference for scband-tokenizer-2946347565243 (READ-ONLY COPY).

The authoritative reference and input builder live on the scoring server;
editing this copy changes nothing except your own understanding.
"""

import jax, jax.numpy as jnp
import numpy as np

B = 16384
D_NUM = 13
N_CAT = 26
CARD = 1000
D_TOKEN = 64
TOTAL_CAT = N_CAT * CARD


def setup_inputs(seed: int = 0) -> dict:
    key = jax.random.key(seed)
    k1, k2, k3, k4, k5 = jax.random.split(key, 5)
    x_num = jax.random.normal(k1, (B, D_NUM), dtype=jnp.float32)
    x_cat = jax.random.randint(k2, (B, N_CAT), 0, CARD, dtype=jnp.int32)
    # learned params (kaiming-uniform-like init)
    bound_w = float(np.sqrt(6.0 / ((1 + 5) * D_TOKEN)))
    weight = jax.random.uniform(k3, (D_NUM + 1, D_TOKEN), minval=-bound_w, maxval=bound_w, dtype=jnp.float32)
    bias = jax.random.uniform(k4, (D_NUM + N_CAT, D_TOKEN), minval=-bound_w, maxval=bound_w, dtype=jnp.float32)
    cat_emb = jax.random.uniform(k5, (TOTAL_CAT, D_TOKEN), minval=-bound_w, maxval=bound_w, dtype=jnp.float32)
    return {"x_num": x_num, "x_cat": x_cat, "weight": weight, "bias": bias, "cat_emb": cat_emb}


def reference(x_num, x_cat, weight, bias, cat_emb):
    # category offsets buffer: cumsum([0] + categories[:-1])
    offsets = jnp.cumsum(jnp.array([0] + [CARD] * (N_CAT - 1), dtype=jnp.int32))
    n = x_num.shape[0]
    x_num_full = jnp.concatenate([jnp.ones((n, 1), dtype=x_num.dtype), x_num], axis=1)  # [B, D_NUM+1]
    x = weight[None] * x_num_full[:, :, None]  # [B, D_NUM+1, D_TOKEN]
    idx = x_cat + offsets[None]  # [B, N_CAT]
    cat_tokens = jnp.take(cat_emb, idx, axis=0)  # gather -> [B, N_CAT, D_TOKEN]
    x = jnp.concatenate([x, cat_tokens], axis=1)  # [B, D_NUM+1+N_CAT, D_TOKEN]
    bias_full = jnp.concatenate([jnp.zeros((1, bias.shape[1]), dtype=bias.dtype), bias], axis=0)
    x = x + bias_full[None]
    return x

if __name__ == "__main__":
    import jax
    _d = setup_inputs()
    print(jax.jit(kernel)(*tuple(_d.values())))

</pallas_src>

<mosaic_0001>
#map = affine_map<(d0, d1) -> (0, 0)>
#map1 = affine_map<(d0, d1) -> (0)>
module attributes {stable_mosaic.version = 14 : i64} {
  func.func @_sc_body(%arg0: i32, %arg1: i32, %arg2: memref<26000x128xf32, #tpu.memory_space<hbm>>, %arg3: memref<425984xi32, #tpu.memory_space<hbm>>, %arg4: memref<2560x16384xf32, #tpu.memory_space<hbm>>, %arg5: memref<13312xi32, #tpu.memory_space<vmem>>, %arg6: memref<256x128xf32, #tpu.memory_space<vmem>>, %arg7: memref<256x128xf32, #tpu.memory_space<vmem>>, %arg8: memref<64x257xf32, #tpu.memory_space<vmem>>, %arg9: memref<64x257xf32, #tpu.memory_space<vmem>>, %arg10: memref<!tpu.dma_semaphore, #tpu.memory_space<semaphore_mem>>, %arg11: memref<!tpu.dma_semaphore, #tpu.memory_space<semaphore_mem>>, %arg12: memref<!tpu.dma_semaphore, #tpu.memory_space<semaphore_mem>>, %arg13: memref<!tpu.dma_semaphore, #tpu.memory_space<semaphore_mem>>) attributes {dimension_semantics = [#tpu.dimension_semantics<core_parallel>, #tpu.dimension_semantics<subcore_parallel>], iteration_bounds = array<i64: 2, 16>, scalar_prefetch = 0 : i64, scratch_operands = 9 : i64, tpu.core_type = #tpu.core_type<sc_vector_subcore>, window_params = [{transform_indices = #map}, {transform_indices = #map1}, {transform_indices = #map}]} {
    %mul3A = arith.constant 2 : i32
    %mul3A_0 = arith.muli %arg1, %mul3A : i32
    %add3A = arith.addi %mul3A_0, %arg0 : i32
    %mul3A_1 = arith.constant 512 : i32
    %mul3A_2 = arith.muli %add3A, %mul3A_1 : i32
    %scan3A = arith.constant 0 : i32
    %scan3A_3 = arith.constant 0 : i32
    %scan3A_4 = arith.constant 26 : i32
    %scan3A_5 = arith.addi %scan3A_3, %scan3A_4 : i32
    %scan3A_6 = arith.constant 1 : i32
    scf.for %scan3A_56 = %scan3A_3 to %scan3A_5 step %scan3A_6  : i32 {
      %mul3A_57 = arith.constant 16384 : i32
      %mul3A_58 = arith.muli %scan3A_56, %mul3A_57 : i32
      %add3A_59 = arith.addi %mul3A_58, %mul3A_2 : i32
      %mul3A_60 = arith.constant 512 : i32
      %mul3A_61 = arith.muli %scan3A_56, %mul3A_60 : i32
      "tpu.region"() ({
        %run_scoped3A = tpu.sem_alloc : memref<!tpu.dma_semaphore, #tpu.memory_space<semaphore_mem>>
        %dma_start3A_62 = tpu.memref_slice %arg5[%mul3A_61] : memref<13312xi32, #tpu.memory_space<vmem>> -> memref<512xi32, #tpu.memory_space<vmem>>
        %dma_start3A_63 = tpu.memref_slice %arg3[%add3A_59] : memref<425984xi32, #tpu.memory_space<hbm>> -> memref<512xi32, #tpu.memory_space<hbm>>
        %dma_start3A_64 = tpu.memref_slice %arg5[%mul3A_61] : memref<13312xi32, #tpu.memory_space<vmem>> -> memref<512xi32, #tpu.memory_space<vmem>>
        %dma_start3A_65 = tpu.memref_slice %arg3[%add3A_59] : memref<425984xi32, #tpu.memory_space<hbm>> -> memref<512xi32, #tpu.memory_space<hbm>>
        tpu.enqueue_dma source(%dma_start3A_65 : memref<512xi32, #tpu.memory_space<hbm>>) target(%dma_start3A_64 : memref<512xi32, #tpu.memory_space<vmem>>) target_semaphore(%run_scoped3A : memref<!tpu.dma_semaphore, #tpu.memory_space<semaphore_mem>>)
        %dma_wait3A_66 = tpu.memref_slice %arg5[%mul3A_61] : memref<13312xi32, #tpu.memory_space<vmem>> -> memref<512xi32, #tpu.memory_space<vmem>>
        %dma_wait3A_67 = tpu.memref_slice %arg3[%add3A_59] : memref<425984xi32, #tpu.memory_space<hbm>> -> memref<512xi32, #tpu.memory_space<hbm>>
        %dma_wait3A_68 = tpu.memref_slice %arg5[%mul3A_61] : memref<13312xi32, #tpu.memory_space<vmem>> -> memref<512xi32, #tpu.memory_space<vmem>>
        %dma_wait3A_69 = tpu.memref_slice %arg3[%add3A_59] : memref<425984xi32, #tpu.memory_space<hbm>> -> memref<512xi32, #tpu.memory_space<hbm>>
        tpu.wait_dma2 semaphore(%run_scoped3A : memref<!tpu.dma_semaphore, #tpu.memory_space<semaphore_mem>>) src(%dma_wait3A_69 : memref<512xi32, #tpu.memory_space<hbm>>) dst(%dma_wait3A_68 : memref<512xi32, #tpu.memory_space<vmem>>)
        tpu.yield
      }) : () -> ()
    }
    %scan3A_7 = arith.constant 26 : i32
    %iota3A = tpu.iota {dimensions = array<i32: 0>} : vector<16xi32>
    %add3A_8 = arith.constant 0 : i32
    %add3A_9 = vector.broadcast %add3A_8 : i32 to vector<16xi32>
    %add3A_10 = arith.addi %iota3A, %add3A_9 : vector<16xi32>
    %iota3A_11 = tpu.iota {dimensions = array<i32: 0>} : vector<16xi32>
    %add3A_12 = arith.constant 16 : i32
    %add3A_13 = vector.broadcast %add3A_12 : i32 to vector<16xi32>
    %add3A_14 = arith.addi %iota3A_11, %add3A_13 : vector<16xi32>
    %iota3A_15 = tpu.iota {dimensions = array<i32: 0>} : vector<16xi32>
    %add3A_16 = arith.constant 32 : i32
    %add3A_17 = vector.broadcast %add3A_16 : i32 to vector<16xi32>
    %add3A_18 = arith.addi %iota3A_15, %add3A_17 : vector<16xi32>
    %iota3A_19 = tpu.iota {dimensions = array<i32: 0>} : vector<16xi32>
    %add3A_20 = arith.constant 48 : i32
    %add3A_21 = vector.broadcast %add3A_20 : i32 to vector<16xi32>
    %add3A_22 = arith.addi %iota3A_19, %add3A_21 : vector<16xi32>
    %dma_start3A = arith.constant 0 : i32
    %dma_start3A_23 = tpu.memref_slice %arg5[%dma_start3A] : memref<13312xi32, #tpu.memory_space<vmem>> -> memref<256xi32, #tpu.memory_space<vmem>>
    %dma_start3A_24 = arith.constant 0 : i32
    %dma_start3A_25 = arith.constant 0 : i32
    %dma_start3A_26 = tpu.memref_slice %arg2[%dma_start3A_24, %dma_start3A_25] : memref<26000x128xf32, #tpu.memory_space<hbm>> -> memref<26000x128xf32, #tpu.memory_space<hbm>>
    tpu.enqueue_indirect_dma source(%dma_start3A_26 : memref<26000x128xf32, #tpu.memory_space<hbm>>) target(%arg6 : memref<256x128xf32, #tpu.memory_space<vmem>>) offsets(%dma_start3A_23 : memref<256xi32, #tpu.memory_space<vmem>>) semaphore(%arg10 : memref<!tpu.dma_semaphore, #tpu.memory_space<semaphore_mem>>)
    %scan3A_27 = arith.constant 0 : i32
    %scan3A_28 = arith.constant 0 : i32
    %scan3A_29 = arith.constant 26 : i32
    %scan3A_30 = arith.addi %scan3A_28, %scan3A_29 : i32
    %scan3A_31 = arith.constant 1 : i32
    scf.for %scan3A_56 = %scan3A_28 to %scan3A_30 step %scan3A_31  : i32 {
      %mul3A_57 = arith.constant 2 : i32
      %mul3A_58 = arith.muli %mul3A_57, %scan3A_56 : i32
      %add3A_59 = arith.constant 1 : i32
      %add3A_60 = arith.addi %mul3A_58, %add3A_59 : i32
      %jit3A = arith.constant 2 : i32
      %div3A = arith.divsi %add3A_60, %jit3A : i32
      %sign3A = arith.constant 0 : i32
      %sign3A_61 = arith.cmpi sgt, %add3A_60, %sign3A : i32
      %sign3A_62 = arith.extui %sign3A_61 : i1 to i32
      %sign3A_63 = arith.constant 0 : i32
      %sign3A_64 = arith.cmpi slt, %add3A_60, %sign3A_63 : i32
      %sign3A_65 = arith.extui %sign3A_64 : i1 to i32
      %sign3A_66 = arith.subi %sign3A_62, %sign3A_65 : i32
      %sign3A_67 = arith.constant 0 : i32
      %sign3A_68 = arith.cmpi sgt, %jit3A, %sign3A_67 : i32
      %sign3A_69 = arith.extui %sign3A_68 : i1 to i32
      %sign3A_70 = arith.constant 0 : i32
      %sign3A_71 = arith.cmpi slt, %jit3A, %sign3A_70 : i32
      %sign3A_72 = arith.extui %sign3A_71 : i1 to i32
      %sign3A_73 = arith.subi %sign3A_69, %sign3A_72 : i32
      %ne3A = arith.cmpi ne, %sign3A_66, %sign3A_73 : i32
      %rem3A = arith.remsi %add3A_60, %jit3A : i32
      %ne3A_74 = arith.constant 0 : i32
      %ne3A_75 = arith.cmpi ne, %rem3A, %ne3A_74 : i32
      %and3A = arith.andi %ne3A, %ne3A_75 : i1
      %sub3A = arith.constant 1 : i32
      %sub3A_76 = arith.subi %div3A, %sub3A : i32
      %select_n3A = arith.select %and3A, %sub3A_76, %div3A : i32
      %jit3A_77 = arith.constant 2 : i32
      %eq3A = arith.constant 0 : i32
      %eq3A_78 = arith.cmpi eq, %jit3A_77, %eq3A : i32
      %jit3A_79 = arith.constant 1 : i32
      %select_n3A_80 = arith.select %eq3A_78, %jit3A_79, %jit3A_77 : i32
      %rem3A_81 = arith.remsi %add3A_60, %select_n3A_80 : i32
      %ne3A_82 = arith.constant 0 : i32
      %ne3A_83 = arith.cmpi ne, %rem3A_81, %ne3A_82 : i32
      %lt3A = arith.constant 0 : i32
      %lt3A_84 = arith.cmpi slt, %rem3A_81, %lt3A : i32
      %lt3A_85 = arith.constant 0 : i32
      %lt3A_86 = arith.cmpi slt, %select_n3A_80, %lt3A_85 : i32
      %ne3A_87 = arith.xori %lt3A_84, %lt3A_86 : i1
      %and3A_88 = arith.andi %ne3A_87, %ne3A_83 : i1
      %add3A_89 = arith.addi %rem3A_81, %select_n3A_80 : i32
      %select_n3A_90 = arith.select %and3A_88, %add3A_89, %rem3A_81 : i32
      %mul3A_91 = arith.constant 512 : i32
      %mul3A_92 = arith.muli %select_n3A, %mul3A_91 : i32
      %mul3A_93 = arith.constant 256 : i32
      %mul3A_94 = arith.muli %select_n3A_90, %mul3A_93 : i32
      %add3A_95 = arith.addi %mul3A_92, %mul3A_94 : i32
      %dma_start3A_96 = tpu.memref_slice %arg5[%add3A_95] : memref<13312xi32, #tpu.memory_space<vmem>> -> memref<256xi32, #tpu.memory_space<vmem>>
      %dma_start3A_97 = arith.constant 0 : i32
      %dma_start3A_98 = arith.constant 0 : i32
      %dma_start3A_99 = tpu.memref_slice %arg2[%dma_start3A_97, %dma_start3A_98] : memref<26000x128xf32, #tpu.memory_space<hbm>> -> memref<26000x128xf32, #tpu.memory_space<hbm>>
      tpu.enqueue_indirect_dma source(%dma_start3A_99 : memref<26000x128xf32, #tpu.memory_space<hbm>>) target(%arg7 : memref<256x128xf32, #tpu.memory_space<vmem>>) offsets(%dma_start3A_96 : memref<256xi32, #tpu.memory_space<vmem>>) semaphore(%arg11 : memref<!tpu.dma_semaphore, #tpu.memory_space<semaphore_mem>>)
      %dma_wait3A_100 = arith.constant 0 : i32
      %dma_wait3A_101 = tpu.memref_slice %arg5[%dma_wait3A_100] : memref<13312xi32, #tpu.memory_space<vmem>> -> memref<256xi32, #tpu.memory_space<vmem>>
      %dma_wait3A_102 = arith.constant 0 : i32
      %dma_wait3A_103 = arith.constant 0 : i32
      %dma_wait3A_104 = tpu.memref_slice %arg2[%dma_wait3A_102, %dma_wait3A_103] : memref<26000x128xf32, #tpu.memory_space<hbm>> -> memref<26000x128xf32, #tpu.memory_space<hbm>>
      tpu.wait_indirect_dma semaphore(%arg10 : memref<!tpu.dma_semaphore, #tpu.memory_space<semaphore_mem>>) src(%dma_wait3A_104 : memref<26000x128xf32, #tpu.memory_space<hbm>>) dst(%arg6 : memref<256x128xf32, #tpu.memory_space<vmem>>)
      %gt3A = arith.constant 0 : i32
      %gt3A_105 = arith.cmpi sgt, %scan3A_56, %gt3A : i32
      %convert_element_type3A = arith.extui %gt3A_105 : i1 to i32
      %cond3A = arith.constant 0 : i32
      %cond3A_106 = arith.cmpi ne, %convert_element_type3A, %cond3A : i32
      scf.if %cond3A_106 {
        %jit3A_242 = arith.constant 2 : i32
        %div3A_243 = arith.divsi %mul3A_58, %jit3A_242 : i32
        %sign3A_244 = arith.constant 0 : i32
        %sign3A_245 = arith.cmpi sgt, %mul3A_58, %sign3A_244 : i32
        %sign3A_246 = arith.extui %sign3A_245 : i1 to i32
        %sign3A_247 = arith.constant 0 : i32
        %sign3A_248 = arith.cmpi slt, %mul3A_58, %sign3A_247 : i32
        %sign3A_249 = arith.extui %sign3A_248 : i1 to i32
        %sign3A_250 = arith.subi %sign3A_246, %sign3A_249 : i32
        %sign3A_251 = arith.constant 0 : i32
        %sign3A_252 = arith.cmpi sgt, %jit3A_242, %sign3A_251 : i32
        %sign3A_253 = arith.extui %sign3A_252 : i1 to i32
        %sign3A_254 = arith.constant 0 : i32
        %sign3A_255 = arith.cmpi slt, %jit3A_242, %sign3A_254 : i32
        %sign3A_256 = arith.extui %sign3A_255 : i1 to i32
        %sign3A_257 = arith.subi %sign3A_253, %sign3A_256 : i32
        %ne3A_258 = arith.cmpi ne, %sign3A_250, %sign3A_257 : i32
        %rem3A_259 = arith.remsi %mul3A_58, %jit3A_242 : i32
        %ne3A_260 = arith.constant 0 : i32
        %ne3A_261 = arith.cmpi ne, %rem3A_259, %ne3A_260 : i32
        %and3A_262 = arith.andi %ne3A_258, %ne3A_261 : i1
        %sub3A_263 = arith.constant 1 : i32
        %sub3A_264 = arith.subi %div3A_243, %sub3A_263 : i32
        %select_n3A_265 = arith.select %and3A_262, %sub3A_264, %div3A_243 : i32
        %jit3A_266 = arith.constant 2 : i32
        %eq3A_267 = arith.constant 0 : i32
        %eq3A_268 = arith.cmpi eq, %jit3A_266, %eq3A_267 : i32
        %jit3A_269 = arith.constant 1 : i32
        %select_n3A_270 = arith.select %eq3A_268, %jit3A_269, %jit3A_266 : i32
        %rem3A_271 = arith.remsi %mul3A_58, %select_n3A_270 : i32
        %ne3A_272 = arith.constant 0 : i32
        %ne3A_273 = arith.cmpi ne, %rem3A_271, %ne3A_272 : i32
        %lt3A_274 = arith.constant 0 : i32
        %lt3A_275 = arith.cmpi slt, %rem3A_271, %lt3A_274 : i32
        %lt3A_276 = arith.constant 0 : i32
        %lt3A_277 = arith.cmpi slt, %select_n3A_270, %lt3A_276 : i32
        %ne3A_278 = arith.xori %lt3A_275, %lt3A_277 : i1
        %and3A_279 = arith.andi %ne3A_278, %ne3A_273 : i1
        %add3A_280 = arith.addi %rem3A_271, %select_n3A_270 : i32
        %select_n3A_281 = arith.select %and3A_279, %add3A_280, %rem3A_271 : i32
        %mul3A_282 = arith.constant 64 : i32
        %mul3A_283 = arith.muli %select_n3A_265, %mul3A_282 : i32
        %add3A_284 = arith.constant 896 : i32
        %add3A_285 = arith.addi %add3A_284, %mul3A_283 : i32
        %mul3A_286 = arith.constant 256 : i32
        %mul3A_287 = arith.muli %select_n3A_281, %mul3A_286 : i32
        %add3A_288 = arith.addi %mul3A_2, %mul3A_287 : i32
        %dma_wait3A_289 = arith.constant 0 : i32
        %dma_wait3A_290 = arith.constant 0 : i32
        %dma_wait3A_291 = tpu.memref_slice %arg8[%dma_wait3A_289, %dma_wait3A_290] : memref<64x257xf32, #tpu.memory_space<vmem>> -> memref<64x256xf32, #tpu.memory_space<vmem>>
        %dma_wait3A_292 = tpu.memref_slice %arg4[%add3A_285, %add3A_288] : memref<2560x16384xf32, #tpu.memory_space<hbm>> -> memref<64x256xf32, #tpu.memory_space<hbm>>
        %dma_wait3A_293 = tpu.memref_slice %arg4[%add3A_285, %add3A_288] : memref<2560x16384xf32, #tpu.memory_space<hbm>> -> memref<64x256xf32, #tpu.memory_space<hbm>>
        %dma_wait3A_294 = arith.constant 0 : i32
        %dma_wait3A_295 = arith.constant 0 : i32
        %dma_wait3A_296 = tpu.memref_slice %arg8[%dma_wait3A_294, %dma_wait3A_295] : memref<64x257xf32, #tpu.memory_space<vmem>> -> memref<64x256xf32, #tpu.memory_space<vmem>>
        tpu.wait_dma2 semaphore(%arg12 : memref<!tpu.dma_semaphore, #tpu.memory_space<semaphore_mem>>) src(%dma_wait3A_296 : memref<64x256xf32, #tpu.memory_space<vmem>>) dst(%dma_wait3A_293 : memref<64x256xf32, #tpu.memory_space<hbm>>)
      } else {
      }
      %broadcast_in_dim3A = arith.constant 0 : i32
      %broadcast_in_dim3A_107 = vector.broadcast %broadcast_in_dim3A : i32 to vector<16xi32>
      %parallel_loop3A = arith.constant 0 : i32
      %parallel_loop3A_108 = arith.constant 256 : i32
      %parallel_loop3A_109 = arith.constant 1 : i32
      %parallel_loop3A_110 = scf.for %parallel_loop3A_242 = %parallel_loop3A to %parallel_loop3A_108 step %parallel_loop3A_109 iter_args(%parallel_loop3A_243 = %broadcast_in_dim3A_107) -> (vector<16xi32>)  : i32 {
        %parallel_loop3A_244 = arith.index_cast %parallel_loop3A_242 : i32 to index
        %parallel_loop3A_245 = arith.constant 0 : index
        %parallel_loop3A_246 = tpu.vector_load %arg6[%parallel_loop3A_244, %parallel_loop3A_245] {strides = array<i32>} : memref<256x128xf32, #tpu.memory_space<vmem>>, vector<16xf32>,
        tpu.vector_store_idx %arg8[%add3A_10, %parallel_loop3A_243], %parallel_loop3A_246 : memref<64x257xf32, #tpu.memory_space<vmem>>[vector<16xi32>, vector<16xi32>], vector<16xf32>,
        %parallel_loop3A_247 = arith.index_cast %parallel_loop3A_242 : i32 to index
        %parallel_loop3A_248 = arith.constant 16 : index
        %parallel_loop3A_249 = tpu.vector_load %arg6[%parallel_loop3A_247, %parallel_loop3A_248] {strides = array<i32>} : memref<256x128xf32, #tpu.memory_space<vmem>>, vector<16xf32>,
        tpu.vector_store_idx %arg8[%add3A_14, %parallel_loop3A_243], %parallel_loop3A_249 : memref<64x257xf32, #tpu.memory_space<vmem>>[vector<16xi32>, vector<16xi32>], vector<16xf32>,
        %parallel_loop3A_250 = arith.index_cast %parallel_loop3A_242 : i32 to index
        %parallel_loop3A_251 = arith.constant 32 : index
        %parallel_loop3A_252 = tpu.vector_load %arg6[%parallel_loop3A_250, %parallel_loop3A_251] {strides = array<i32>} : memref<256x128xf32, #tpu.memory_space<vmem>>, vector<16xf32>,
        tpu.vector_store_idx %arg8[%add3A_18, %parallel_loop3A_243], %parallel_loop3A_252 : memref<64x257xf32, #tpu.memory_space<vmem>>[vector<16xi32>, vector<16xi32>], vector<16xf32>,
        %parallel_loop3A_253 = arith.index_cast %parallel_loop3A_242 : i32 to index
        %parallel_loop3A_254 = arith.constant 48 : index
        %parallel_loop3A_255 = tpu.vector_load %arg6[%parallel_loop3A_253, %parallel_loop3A_254] {strides = array<i32>} : memref<256x128xf32, #tpu.memory_space<vmem>>, vector<16xf32>,
        tpu.vector_store_idx %arg8[%add3A_22, %parallel_loop3A_243], %parallel_loop3A_255 : memref<64x257xf32, #tpu.memory_space<vmem>>[vector<16xi32>, vector<16xi32>], vector<16xf32>,
        %parallel_loop3A_256 = arith.constant 1 : i32
        %parallel_loop3A_257 = vector.broadcast %parallel_loop3A_256 : i32 to vector<16xi32>
        %parallel_loop3A_258 = arith.addi %parallel_loop3A_243, %parallel_loop3A_257 : vector<16xi32>
        scf.yield %parallel_loop3A_258 : vector<16xi32>
      } {sc.loop_unroll_factor = 16 : i64, sc.parallel_access}
      %jit3A_111 = arith.constant 2 : i32
      %div3A_112 = arith.divsi %mul3A_58, %jit3A_111 : i32
      %sign3A_113 = arith.constant 0 : i32
      %sign3A_114 = arith.cmpi sgt, %mul3A_58, %sign3A_113 : i32
      %sign3A_115 = arith.extui %sign3A_114 : i1 to i32
      %sign3A_116 = arith.constant 0 : i32
      %sign3A_117 = arith.cmpi slt, %mul3A_58, %sign3A_116 : i32
      %sign3A_118 = arith.extui %sign3A_117 : i1 to i32
      %sign3A_119 = arith.subi %sign3A_115, %sign3A_118 : i32
      %sign3A_120 = arith.constant 0 : i32
      %sign3A_121 = arith.cmpi sgt, %jit3A_111, %sign3A_120 : i32
      %sign3A_122 = arith.extui %sign3A_121 : i1 to i32
      %sign3A_123 = arith.constant 0 : i32
      %sign3A_124 = arith.cmpi slt, %jit3A_111, %sign3A_123 : i32
      %sign3A_125 = arith.extui %sign3A_124 : i1 to i32
      %sign3A_126 = arith.subi %sign3A_122, %sign3A_125 : i32
      %ne3A_127 = arith.cmpi ne, %sign3A_119, %sign3A_126 : i32
      %rem3A_128 = arith.remsi %mul3A_58, %jit3A_111 : i32
      %ne3A_129 = arith.constant 0 : i32
      %ne3A_130 = arith.cmpi ne, %rem3A_128, %ne3A_129 : i32
      %and3A_131 = arith.andi %ne3A_127, %ne3A_130 : i1
      %sub3A_132 = arith.constant 1 : i32
      %sub3A_133 = arith.subi %div3A_112, %sub3A_132 : i32
      %select_n3A_134 = arith.select %and3A_131, %sub3A_133, %div3A_112 : i32
      %jit3A_135 = arith.constant 2 : i32
      %eq3A_136 = arith.constant 0 : i32
      %eq3A_137 = arith.cmpi eq, %jit3A_135, %eq3A_136 : i32
      %jit3A_138 = arith.constant 1 : i32
      %select_n3A_139 = arith.select %eq3A_137, %jit3A_138, %jit3A_135 : i32
      %rem3A_140 = arith.remsi %mul3A_58, %select_n3A_139 : i32
      %ne3A_141 = arith.constant 0 : i32
      %ne3A_142 = arith.cmpi ne, %rem3A_140, %ne3A_141 : i32
      %lt3A_143 = arith.constant 0 : i32
      %lt3A_144 = arith.cmpi slt, %rem3A_140, %lt3A_143 : i32
      %lt3A_145 = arith.constant 0 : i32
      %lt3A_146 = arith.cmpi slt, %select_n3A_139, %lt3A_145 : i32
      %ne3A_147 = arith.xori %lt3A_144, %lt3A_146 : i1
      %and3A_148 = arith.andi %ne3A_147, %ne3A_142 : i1
      %add3A_149 = arith.addi %rem3A_140, %select_n3A_139 : i32
      %select_n3A_150 = arith.select %and3A_148, %add3A_149, %rem3A_140 : i32
      %mul3A_151 = arith.constant 64 : i32
      %mul3A_152 = arith.muli %select_n3A_134, %mul3A_151 : i32
      %add3A_153 = arith.constant 896 : i32
      %add3A_154 = arith.addi %add3A_153, %mul3A_152 : i32
      %mul3A_155 = arith.constant 256 : i32
      %mul3A_156 = arith.muli %select_n3A_150, %mul3A_155 : i32
      %add3A_157 = arith.addi %mul3A_2, %mul3A_156 : i32
      %dma_start3A_158 = arith.constant 0 : i32
      %dma_start3A_159 = arith.constant 0 : i32
      %dma_start3A_160 = tpu.memref_slice %arg8[%dma_start3A_158, %dma_start3A_159] : memref<64x257xf32, #tpu.memory_space<vmem>> -> memref<64x256xf32, #tpu.memory_space<vmem>>
      %dma_start3A_161 = tpu.memref_slice %arg4[%add3A_154, %add3A_157] : memref<2560x16384xf32, #tpu.memory_space<hbm>> -> memref<64x256xf32, #tpu.memory_space<hbm>>
      %dma_start3A_162 = tpu.memref_slice %arg4[%add3A_154, %add3A_157] : memref<2560x16384xf32, #tpu.memory_space<hbm>> -> memref<64x256xf32, #tpu.memory_space<hbm>>
      %dma_start3A_163 = arith.constant 0 : i32
      %dma_start3A_164 = arith.constant 0 : i32
      %dma_start3A_165 = tpu.memref_slice %arg8[%dma_start3A_163, %dma_start3A_164] : memref<64x257xf32, #tpu.memory_space<vmem>> -> memref<64x256xf32, #tpu.memory_space<vmem>>
      tpu.enqueue_dma source(%dma_start3A_165 : memref<64x256xf32, #tpu.memory_space<vmem>>) target(%dma_start3A_162 : memref<64x256xf32, #tpu.memory_space<hbm>>) target_semaphore(%arg12 : memref<!tpu.dma_semaphore, #tpu.memory_space<semaphore_mem>>)
      %lt3A_166 = arith.constant 25 : i32
      %lt3A_167 = arith.cmpi slt, %scan3A_56, %lt3A_166 : i32
      %convert_element_type3A_168 = arith.extui %lt3A_167 : i1 to i32
      %cond3A_169 = arith.constant 0 : i32
      %cond3A_170 = arith.cmpi ne, %convert_element_type3A_168, %cond3A_169 : i32
      scf.if %cond3A_170 {
        %add3A_242 = arith.constant 2 : i32
        %add3A_243 = arith.addi %mul3A_58, %add3A_242 : i32
        %jit3A_244 = arith.constant 2 : i32
        %div3A_245 = arith.divsi %add3A_243, %jit3A_244 : i32
        %sign3A_246 = arith.constant 0 : i32
        %sign3A_247 = arith.cmpi sgt, %add3A_243, %sign3A_246 : i32
        %sign3A_248 = arith.extui %sign3A_247 : i1 to i32
        %sign3A_249 = arith.constant 0 : i32
        %sign3A_250 = arith.cmpi slt, %add3A_243, %sign3A_249 : i32
        %sign3A_251 = arith.extui %sign3A_250 : i1 to i32
        %sign3A_252 = arith.subi %sign3A_248, %sign3A_251 : i32
        %sign3A_253 = arith.constant 0 : i32
        %sign3A_254 = arith.cmpi sgt, %jit3A_244, %sign3A_253 : i32
        %sign3A_255 = arith.extui %sign3A_254 : i1 to i32
        %sign3A_256 = arith.constant 0 : i32
        %sign3A_257 = arith.cmpi slt, %jit3A_244, %sign3A_256 : i32
        %sign3A_258 = arith.extui %sign3A_257 : i1 to i32
        %sign3A_259 = arith.subi %sign3A_255, %sign3A_258 : i32
        %ne3A_260 = arith.cmpi ne, %sign3A_252, %sign3A_259 : i32
        %rem3A_261 = arith.remsi %add3A_243, %jit3A_244 : i32
        %ne3A_262 = arith.constant 0 : i32
        %ne3A_263 = arith.cmpi ne, %rem3A_261, %ne3A_262 : i32
        %and3A_264 = arith.andi %ne3A_260, %ne3A_263 : i1
        %sub3A_265 = arith.constant 1 : i32
        %sub3A_266 = arith.subi %div3A_245, %sub3A_265 : i32
        %select_n3A_267 = arith.select %and3A_264, %sub3A_266, %div3A_245 : i32
        %jit3A_268 = arith.constant 2 : i32
        %eq3A_269 = arith.constant 0 : i32
        %eq3A_270 = arith.cmpi eq, %jit3A_268, %eq3A_269 : i32
        %jit3A_271 = arith.constant 1 : i32
        %select_n3A_272 = arith.select %eq3A_270, %jit3A_271, %jit3A_268 : i32
        %rem3A_273 = arith.remsi %add3A_243, %select_n3A_272 : i32
        %ne3A_274 = arith.constant 0 : i32
        %ne3A_275 = arith.cmpi ne, %rem3A_273, %ne3A_274 : i32
        %lt3A_276 = arith.constant 0 : i32
        %lt3A_277 = arith.cmpi slt, %rem3A_273, %lt3A_276 : i32
        %lt3A_278 = arith.constant 0 : i32
        %lt3A_279 = arith.cmpi slt, %select_n3A_272, %lt3A_278 : i32
        %ne3A_280 = arith.xori %lt3A_277, %lt3A_279 : i1
        %and3A_281 = arith.andi %ne3A_280, %ne3A_275 : i1
        %add3A_282 = arith.addi %rem3A_273, %select_n3A_272 : i32
        %select_n3A_283 = arith.select %and3A_281, %add3A_282, %rem3A_273 : i32
        %mul3A_284 = arith.constant 512 : i32
        %mul3A_285 = arith.muli %select_n3A_267, %mul3A_284 : i32
        %mul3A_286 = arith.constant 256 : i32
        %mul3A_287 = arith.muli %select_n3A_283, %mul3A_286 : i32
        %add3A_288 = arith.addi %mul3A_285, %mul3A_287 : i32
        %dma_start3A_289 = tpu.memref_slice %arg5[%add3A_288] : memref<13312xi32, #tpu.memory_space<vmem>> -> memref<256xi32, #tpu.memory_space<vmem>>
        %dma_start3A_290 = arith.constant 0 : i32
        %dma_start3A_291 = arith.constant 0 : i32
        %dma_start3A_292 = tpu.memref_slice %arg2[%dma_start3A_290, %dma_start3A_291] : memref<26000x128xf32, #tpu.memory_space<hbm>> -> memref<26000x128xf32, #tpu.memory_space<hbm>>
        tpu.enqueue_indirect_dma source(%dma_start3A_292 : memref<26000x128xf32, #tpu.memory_space<hbm>>) target(%arg6 : memref<256x128xf32, #tpu.memory_space<vmem>>) offsets(%dma_start3A_289 : memref<256xi32, #tpu.memory_space<vmem>>) semaphore(%arg10 : memref<!tpu.dma_semaphore, #tpu.memory_space<semaphore_mem>>)
      } else {
      }
      %dma_wait3A_171 = arith.constant 0 : i32
      %dma_wait3A_172 = tpu.memref_slice %arg5[%dma_wait3A_171] : memref<13312xi32, #tpu.memory_space<vmem>> -> memref<256xi32, #tpu.memory_space<vmem>>
      %dma_wait3A_173 = arith.constant 0 : i32
      %dma_wait3A_174 = arith.constant 0 : i32
      %dma_wait3A_175 = tpu.memref_slice %arg2[%dma_wait3A_173, %dma_wait3A_174] : memref<26000x128xf32, #tpu.memory_space<hbm>> -> memref<26000x128xf32, #tpu.memory_space<hbm>>
      tpu.wait_indirect_dma semaphore(%arg11 : memref<!tpu.dma_semaphore, #tpu.memory_space<semaphore_mem>>) src(%dma_wait3A_175 : memref<26000x128xf32, #tpu.memory_space<hbm>>) dst(%arg7 : memref<256x128xf32, #tpu.memory_space<vmem>>)
      %gt3A_176 = arith.constant 0 : i32
      %gt3A_177 = arith.cmpi sgt, %scan3A_56, %gt3A_176 : i32
      %convert_element_type3A_178 = arith.extui %gt3A_177 : i1 to i32
      %cond3A_179 = arith.constant 0 : i32
      %cond3A_180 = arith.cmpi ne, %convert_element_type3A_178, %cond3A_179 : i32
      scf.if %cond3A_180 {
        %jit3A_242 = arith.constant 2 : i32
        %div3A_243 = arith.divsi %add3A_60, %jit3A_242 : i32
        %sign3A_244 = arith.constant 0 : i32
        %sign3A_245 = arith.cmpi sgt, %add3A_60, %sign3A_244 : i32
        %sign3A_246 = arith.extui %sign3A_245 : i1 to i32
        %sign3A_247 = arith.constant 0 : i32
        %sign3A_248 = arith.cmpi slt, %add3A_60, %sign3A_247 : i32
        %sign3A_249 = arith.extui %sign3A_248 : i1 to i32
        %sign3A_250 = arith.subi %sign3A_246, %sign3A_249 : i32
        %sign3A_251 = arith.constant 0 : i32
        %sign3A_252 = arith.cmpi sgt, %jit3A_242, %sign3A_251 : i32
        %sign3A_253 = arith.extui %sign3A_252 : i1 to i32
        %sign3A_254 = arith.constant 0 : i32
        %sign3A_255 = arith.cmpi slt, %jit3A_242, %sign3A_254 : i32
        %sign3A_256 = arith.extui %sign3A_255 : i1 to i32
        %sign3A_257 = arith.subi %sign3A_253, %sign3A_256 : i32
        %ne3A_258 = arith.cmpi ne, %sign3A_250, %sign3A_257 : i32
        %rem3A_259 = arith.remsi %add3A_60, %jit3A_242 : i32
        %ne3A_260 = arith.constant 0 : i32
        %ne3A_261 = arith.cmpi ne, %rem3A_259, %ne3A_260 : i32
        %and3A_262 = arith.andi %ne3A_258, %ne3A_261 : i1
        %sub3A_263 = arith.constant 1 : i32
        %sub3A_264 = arith.subi %div3A_243, %sub3A_263 : i32
        %select_n3A_265 = arith.select %and3A_262, %sub3A_264, %div3A_243 : i32
        %jit3A_266 = arith.constant 2 : i32
        %eq3A_267 = arith.constant 0 : i32
        %eq3A_268 = arith.cmpi eq, %jit3A_266, %eq3A_267 : i32
        %jit3A_269 = arith.constant 1 : i32
        %select_n3A_270 = arith.select %eq3A_268, %jit3A_269, %jit3A_266 : i32
        %rem3A_271 = arith.remsi %add3A_60, %select_n3A_270 : i32
        %ne3A_272 = arith.constant 0 : i32
        %ne3A_273 = arith.cmpi ne, %rem3A_271, %ne3A_272 : i32
        %lt3A_274 = arith.constant 0 : i32
        %lt3A_275 = arith.cmpi slt, %rem3A_271, %lt3A_274 : i32
        %lt3A_276 = arith.constant 0 : i32
        %lt3A_277 = arith.cmpi slt, %select_n3A_270, %lt3A_276 : i32
        %ne3A_278 = arith.xori %lt3A_275, %lt3A_277 : i1
        %and3A_279 = arith.andi %ne3A_278, %ne3A_273 : i1
        %add3A_280 = arith.addi %rem3A_271, %select_n3A_270 : i32
        %select_n3A_281 = arith.select %and3A_279, %add3A_280, %rem3A_271 : i32
        %mul3A_282 = arith.constant 64 : i32
        %mul3A_283 = arith.muli %select_n3A_265, %mul3A_282 : i32
        %add3A_284 = arith.constant 896 : i32
        %add3A_285 = arith.addi %add3A_284, %mul3A_283 : i32
        %mul3A_286 = arith.constant 256 : i32
        %mul3A_287 = arith.muli %select_n3A_281, %mul3A_286 : i32
        %add3A_288 = arith.addi %mul3A_2, %mul3A_287 : i32
        %dma_wait3A_289 = arith.constant 0 : i32
        %dma_wait3A_290 = arith.constant 0 : i32
        %dma_wait3A_291 = tpu.memref_slice %arg9[%dma_wait3A_289, %dma_wait3A_290] : memref<64x257xf32, #tpu.memory_space<vmem>> -> memref<64x256xf32, #tpu.memory_space<vmem>>
        %dma_wait3A_292 = tpu.memref_slice %arg4[%add3A_285, %add3A_288] : memref<2560x16384xf32, #tpu.memory_space<hbm>> -> memref<64x256xf32, #tpu.memory_space<hbm>>
        %dma_wait3A_293 = tpu.memref_slice %arg4[%add3A_285, %add3A_288] : memref<2560x16384xf32, #tpu.memory_space<hbm>> -> memref<64x256xf32, #tpu.memory_space<hbm>>
        %dma_wait3A_294 = arith.constant 0 : i32
        %dma_wait3A_295 = arith.constant 0 : i32
        %dma_wait3A_296 = tpu.memref_slice %arg9[%dma_wait3A_294, %dma_wait3A_295] : memref<64x257xf32, #tpu.memory_space<vmem>> -> memref<64x256xf32, #tpu.memory_space<vmem>>
        tpu.wait_dma2 semaphore(%arg13 : memref<!tpu.dma_semaphore, #tpu.memory_space<semaphore_mem>>) src(%dma_wait3A_296 : memref<64x256xf32, #tpu.memory_space<vmem>>) dst(%dma_wait3A_293 : memref<64x256xf32, #tpu.memory_space<hbm>>)
      } else {
      }
      %broadcast_in_dim3A_181 = arith.constant 0 : i32
      %broadcast_in_dim3A_182 = vector.broadcast %broadcast_in_dim3A_181 : i32 to vector<16xi32>
      %parallel_loop3A_183 = arith.constant 0 : i32
      %parallel_loop3A_184 = arith.constant 256 : i32
      %parallel_loop3A_185 = arith.constant 1 : i32
      %parallel_loop3A_186 = scf.for %parallel_loop3A_242 = %parallel_loop3A_183 to %parallel_loop3A_184 step %parallel_loop3A_185 iter_args(%parallel_loop3A_243 = %broadcast_in_dim3A_182) -> (vector<16xi32>)  : i32 {
        %parallel_loop3A_244 = arith.index_cast %parallel_loop3A_242 : i32 to index
        %parallel_loop3A_245 = arith.constant 0 : index
        %parallel_loop3A_246 = tpu.vector_load %arg7[%parallel_loop3A_244, %parallel_loop3A_245] {strides = array<i32>} : memref<256x128xf32, #tpu.memory_space<vmem>>, vector<16xf32>,
        tpu.vector_store_idx %arg9[%add3A_10, %parallel_loop3A_243], %parallel_loop3A_246 : memref<64x257xf32, #tpu.memory_space<vmem>>[vector<16xi32>, vector<16xi32>], vector<16xf32>,
        %parallel_loop3A_247 = arith.index_cast %parallel_loop3A_242 : i32 to index
        %parallel_loop3A_248 = arith.constant 16 : index
        %parallel_loop3A_249 = tpu.vector_load %arg7[%parallel_loop3A_247, %parallel_loop3A_248] {strides = array<i32>} : memref<256x128xf32, #tpu.memory_space<vmem>>, vector<16xf32>,
        tpu.vector_store_idx %arg9[%add3A_14, %parallel_loop3A_243], %parallel_loop3A_249 : memref<64x257xf32, #tpu.memory_space<vmem>>[vector<16xi32>, vector<16xi32>], vector<16xf32>,
        %parallel_loop3A_250 = arith.index_cast %parallel_loop3A_242 : i32 to index
        %parallel_loop3A_251 = arith.constant 32 : index
        %parallel_loop3A_252 = tpu.vector_load %arg7[%parallel_loop3A_250, %parallel_loop3A_251] {strides = array<i32>} : memref<256x128xf32, #tpu.memory_space<vmem>>, vector<16xf32>,
        tpu.vector_store_idx %arg9[%add3A_18, %parallel_loop3A_243], %parallel_loop3A_252 : memref<64x257xf32, #tpu.memory_space<vmem>>[vector<16xi32>, vector<16xi32>], vector<16xf32>,
        %parallel_loop3A_253 = arith.index_cast %parallel_loop3A_242 : i32 to index
        %parallel_loop3A_254 = arith.constant 48 : index
        %parallel_loop3A_255 = tpu.vector_load %arg7[%parallel_loop3A_253, %parallel_loop3A_254] {strides = array<i32>} : memref<256x128xf32, #tpu.memory_space<vmem>>, vector<16xf32>,
        tpu.vector_store_idx %arg9[%add3A_22, %parallel_loop3A_243], %parallel_loop3A_255 : memref<64x257xf32, #tpu.memory_space<vmem>>[vector<16xi32>, vector<16xi32>], vector<16xf32>,
        %parallel_loop3A_256 = arith.constant 1 : i32
        %parallel_loop3A_257 = vector.broadcast %parallel_loop3A_256 : i32 to vector<16xi32>
        %parallel_loop3A_258 = arith.addi %parallel_loop3A_243, %parallel_loop3A_257 : vector<16xi32>
        scf.yield %parallel_loop3A_258 : vector<16xi32>
      } {sc.loop_unroll_factor = 16 : i64, sc.parallel_access}
      %jit3A_187 = arith.constant 2 : i32
      %div3A_188 = arith.divsi %add3A_60, %jit3A_187 : i32
      %sign3A_189 = arith.constant 0 : i32
      %sign3A_190 = arith.cmpi sgt, %add3A_60, %sign3A_189 : i32
      %sign3A_191 = arith.extui %sign3A_190 : i1 to i32
      %sign3A_192 = arith.constant 0 : i32
      %sign3A_193 = arith.cmpi slt, %add3A_60, %sign3A_192 : i32
      %sign3A_194 = arith.extui %sign3A_193 : i1 to i32
      %sign3A_195 = arith.subi %sign3A_191, %sign3A_194 : i32
      %sign3A_196 = arith.constant 0 : i32
      %sign3A_197 = arith.cmpi sgt, %jit3A_187, %sign3A_196 : i32
      %sign3A_198 = arith.extui %sign3A_197 : i1 to i32
      %sign3A_199 = arith.constant 0 : i32
      %sign3A_200 = arith.cmpi slt, %jit3A_187, %sign3A_199 : i32
      %sign3A_201 = arith.extui %sign3A_200 : i1 to i32
      %sign3A_202 = arith.subi %sign3A_198, %sign3A_201 : i32
      %ne3A_203 = arith.cmpi ne, %sign3A_195, %sign3A_202 : i32
      %rem3A_204 = arith.remsi %add3A_60, %jit3A_187 : i32
      %ne3A_205 = arith.constant 0 : i32
      %ne3A_206 = arith.cmpi ne, %rem3A_204, %ne3A_205 : i32
      %and3A_207 = arith.andi %ne3A_203, %ne3A_206 : i1
      %sub3A_208 = arith.constant 1 : i32
      %sub3A_209 = arith.subi %div3A_188, %sub3A_208 : i32
      %select_n3A_210 = arith.select %and3A_207, %sub3A_209, %div3A_188 : i32
      %jit3A_211 = arith.constant 2 : i32
      %eq3A_212 = arith.constant 0 : i32
      %eq3A_213 = arith.cmpi eq, %jit3A_211, %eq3A_212 : i32
      %jit3A_214 = arith.constant 1 : i32
      %select_n3A_215 = arith.select %eq3A_213, %jit3A_214, %jit3A_211 : i32
      %rem3A_216 = arith.remsi %add3A_60, %select_n3A_215 : i32
      %ne3A_217 = arith.constant 0 : i32
      %ne3A_218 = arith.cmpi ne, %rem3A_216, %ne3A_217 : i32
      %lt3A_219 = arith.constant 0 : i32
      %lt3A_220 = arith.cmpi slt, %rem3A_216, %lt3A_219 : i32
      %lt3A_221 = arith.constant 0 : i32
      %lt3A_222 = arith.cmpi slt, %select_n3A_215, %lt3A_221 : i32
      %ne3A_223 = arith.xori %lt3A_220, %lt3A_222 : i1
      %and3A_224 = arith.andi %ne3A_223, %ne3A_218 : i1
      %add3A_225 = arith.addi %rem3A_216, %select_n3A_215 : i32
      %select_n3A_226 = arith.select %and3A_224, %add3A_225, %rem3A_216 : i32
      %mul3A_227 = arith.constant 64 : i32
      %mul3A_228 = arith.muli %select_n3A_210, %mul3A_227 : i32
      %add3A_229 = arith.constant 896 : i32
      %add3A_230 = arith.addi %add3A_229, %mul3A_228 : i32
      %mul3A_231 = arith.constant 256 : i32
      %mul3A_232 = arith.muli %select_n3A_226, %mul3A_231 : i32
      %add3A_233 = arith.addi %mul3A_2, %mul3A_232 : i32
      %dma_start3A_234 = arith.constant 0 : i32
      %dma_start3A_235 = arith.constant 0 : i32
      %dma_start3A_236 = tpu.memref_slice %arg9[%dma_start3A_234, %dma_start3A_235] : memref<64x257xf32, #tpu.memory_space<vmem>> -> memref<64x256xf32, #tpu.memory_space<vmem>>
      %dma_start3A_237 = tpu.memref_slice %arg4[%add3A_230, %add3A_233] : memref<2560x16384xf32, #tpu.memory_space<hbm>> -> memref<64x256xf32, #tpu.memory_space<hbm>>
      %dma_start3A_238 = tpu.memref_slice %arg4[%add3A_230, %add3A_233] : memref<2560x16384xf32, #tpu.memory_space<hbm>> -> memref<64x256xf32, #tpu.memory_space<hbm>>
      %dma_start3A_239 = arith.constant 0 : i32
      %dma_start3A_240 = arith.constant 0 : i32
      %dma_start3A_241 = tpu.memref_slice %arg9[%dma_start3A_239, %dma_start3A_240] : memref<64x257xf32, #tpu.memory_space<vmem>> -> memref<64x256xf32, #tpu.memory_space<vmem>>
      tpu.enqueue_dma source(%dma_start3A_241 : memref<64x256xf32, #tpu.memory_space<vmem>>) target(%dma_start3A_238 : memref<64x256xf32, #tpu.memory_space<hbm>>) target_semaphore(%arg13 : memref<!tpu.dma_semaphore, #tpu.memory_space<semaphore_mem>>)
    }
    %scan3A_32 = arith.constant 26 : i32
    %add3A_33 = arith.constant 0 : i32
    %add3A_34 = arith.addi %mul3A_2, %add3A_33 : i32
    %dma_wait3A = arith.constant 0 : i32
    %dma_wait3A_35 = arith.constant 0 : i32
    %dma_wait3A_36 = tpu.memref_slice %arg8[%dma_wait3A, %dma_wait3A_35] : memref<64x257xf32, #tpu.memory_space<vmem>> -> memref<64x256xf32, #tpu.memory_space<vmem>>
    %dma_wait3A_37 = arith.constant 896 : i32
    %dma_wait3A_38 = tpu.memref_slice %arg4[%dma_wait3A_37, %add3A_34] : memref<2560x16384xf32, #tpu.memory_space<hbm>> -> memref<64x256xf32, #tpu.memory_space<hbm>>
    %dma_wait3A_39 = arith.constant 896 : i32
    %dma_wait3A_40 = tpu.memref_slice %arg4[%dma_wait3A_39, %add3A_34] : memref<2560x16384xf32, #tpu.memory_space<hbm>> -> memref<64x256xf32, #tpu.memory_space<hbm>>
    %dma_wait3A_41 = arith.constant 0 : i32
    %dma_wait3A_42 = arith.constant 0 : i32
    %dma_wait3A_43 = tpu.memref_slice %arg8[%dma_wait3A_41, %dma_wait3A_42] : memref<64x257xf32, #tpu.memory_space<vmem>> -> memref<64x256xf32, #tpu.memory_space<vmem>>
    tpu.wait_dma2 semaphore(%arg12 : memref<!tpu.dma_semaphore, #tpu.memory_space<semaphore_mem>>) src(%dma_wait3A_43 : memref<64x256xf32, #tpu.memory_space<vmem>>) dst(%dma_wait3A_40 : memref<64x256xf32, #tpu.memory_space<hbm>>)
    %add3A_44 = arith.constant 0 : i32
    %add3A_45 = arith.addi %mul3A_2, %add3A_44 : i32
    %dma_wait3A_46 = arith.constant 0 : i32
    %dma_wait3A_47 = arith.constant 0 : i32
    %dma_wait3A_48 = tpu.memref_slice %arg9[%dma_wait3A_46, %dma_wait3A_47] : memref<64x257xf32, #tpu.memory_space<vmem>> -> memref<64x256xf32, #tpu.memory_space<vmem>>
    %dma_wait3A_49 = arith.constant 896 : i32
    %dma_wait3A_50 = tpu.memref_slice %arg4[%dma_wait3A_49, %add3A_45] : memref<2560x16384xf32, #tpu.memory_space<hbm>> -> memref<64x256xf32, #tpu.memory_space<hbm>>
    %dma_wait3A_51 = arith.constant 896 : i32
    %dma_wait3A_52 = tpu.memref_slice %arg4[%dma_wait3A_51, %add3A_45] : memref<2560x16384xf32, #tpu.memory_space<hbm>> -> memref<64x256xf32, #tpu.memory_space<hbm>>
    %dma_wait3A_53 = arith.constant 0 : i32
    %dma_wait3A_54 = arith.constant 0 : i32
    %dma_wait3A_55 = tpu.memref_slice %arg9[%dma_wait3A_53, %dma_wait3A_54] : memref<64x257xf32, #tpu.memory_space<vmem>> -> memref<64x256xf32, #tpu.memory_space<vmem>>
    tpu.wait_dma2 semaphore(%arg13 : memref<!tpu.dma_semaphore, #tpu.memory_space<semaphore_mem>>) src(%dma_wait3A_55 : memref<64x256xf32, #tpu.memory_space<vmem>>) dst(%dma_wait3A_52 : memref<64x256xf32, #tpu.memory_space<hbm>>)
    return
  }
}

module attributes {stable_mosaic.version = 14 : i64} {
  func.func @_prep_kernel(%arg0: memref<26x1000x128xf32, #tpu.memory_space<vmem>>, %arg1: memref<26x1x128xf32, #tpu.memory_space<vmem>>, %arg2: memref<26x16384xi32, #tpu.memory_space<vmem>>, %arg3: memref<26x1000x128xf32, #tpu.memory_space<vmem>>, %arg4: memref<26x16384xi32, #tpu.memory_space<vmem>>) attributes {dimension_semantics = [], scalar_prefetch = 0 : i64, scratch_operands = 0 : i64, tpu.core_type = #tpu.core_type<tc>} {
    %get3A = arith.constant 0 : index
    %get3A_0 = arith.constant 0 : index
    %get3A_1 = arith.constant 0 : index
    %get3A_2 = vector.load %arg0[%get3A, %get3A_0, %get3A_1] : memref<26x1000x128xf32, #tpu.memory_space<vmem>>, vector<26x1000x128xf32>
    %get3A_3 = arith.constant 0 : index
    %get3A_4 = arith.constant 0 : index
    %get3A_5 = arith.constant 0 : index
    %get3A_6 = vector.load %arg1[%get3A_3, %get3A_4, %get3A_5] : memref<26x1x128xf32, #tpu.memory_space<vmem>>, vector<26x1x128xf32>
    %add3A = vector.broadcast %get3A_6 : vector<26x1x128xf32> to vector<26x1000x128xf32>
    %add3A_7 = arith.addf %get3A_2, %add3A : vector<26x1000x128xf32>
    %swap3A = arith.constant 0 : index
    %swap3A_8 = arith.constant 0 : index
    %swap3A_9 = arith.constant 0 : index
    %swap3A_10 = vector.load %arg3[%swap3A, %swap3A_8, %swap3A_9] : memref<26x1000x128xf32, #tpu.memory_space<vmem>>, vector<26x1000x128xf32>
    tpu.vector_store %arg3[%swap3A, %swap3A_8, %swap3A_9], %add3A_7 {strides = array<i32>} : memref<26x1000x128xf32, #tpu.memory_space<vmem>>, vector<26x1000x128xf32>,
    %iota3A = tpu.iota {dimensions = array<i32: 0>} : vector<26x16384xi32>
    %mul3A = arith.constant 1000 : i32
    %mul3A_11 = vector.broadcast %mul3A : i32 to vector<26x16384xi32>
    %mul3A_12 = arith.muli %iota3A, %mul3A_11 : vector<26x16384xi32>
    %get3A_13 = arith.constant 0 : index
    %get3A_14 = arith.constant 0 : index
    %get3A_15 = vector.load %arg2[%get3A_13, %get3A_14] : memref<26x16384xi32, #tpu.memory_space<vmem>>, vector<26x16384xi32>
    %add3A_16 = arith.addi %get3A_15, %mul3A_12 : vector<26x16384xi32>
    %swap3A_17 = arith.constant 0 : index
    %swap3A_18 = arith.constant 0 : index
    %swap3A_19 = vector.load %arg4[%swap3A_17, %swap3A_18] : memref<26x16384xi32, #tpu.memory_space<vmem>>, vector<26x16384xi32>
    tpu.vector_store %arg4[%swap3A_17, %swap3A_18], %add3A_16 {strides = array<i32>} : memref<26x16384xi32, #tpu.memory_space<vmem>>, vector<26x16384xi32>,
    return
  }
}

module attributes {stable_mosaic.version = 14 : i64} {
  func.func @_num_kernel(%arg0: i32, %arg1: i32, %arg2: memref<1x1x1024xf32, #tpu.memory_space<vmem>>, %arg3: memref<1x1x64xf32, #tpu.memory_space<vmem>>, %arg4: memref<1x1x64xf32, #tpu.memory_space<vmem>>, %arg5: memref<2560x16384xf32, #tpu.memory_space<any>>, %arg6: memref<64x1024xf32, #tpu.memory_space<vmem>>) attributes {dimension_semantics = [#tpu.dimension_semantics<arbitrary>, #tpu.dimension_semantics<arbitrary>], iteration_bounds = array<i64: 14, 16>, scalar_prefetch = 0 : i64, scratch_operands = 0 : i64, tpu.core_type = #tpu.core_type<tc>, window_params = [{transform_indices = @transform_0, window_bounds = array<i64: 1, 1, 1024>}, {transform_indices = @transform_1, window_bounds = array<i64: 1, 1, 64>}, {transform_indices = @transform_2, window_bounds = array<i64: 1, 1, 64>}, {}, {transform_indices = @transform_4, window_bounds = array<i64: 64, 1024>}]} {
    %get3A = arith.constant 0 : index
    %get3A_0 = arith.constant 0 : index
    %get3A_1 = arith.constant 0 : index
    %get3A_2 = vector.load %arg3[%get3A, %get3A_0, %get3A_1] : memref<1x1x64xf32, #tpu.memory_space<vmem>>, vector<1x1x64xf32>
    %get3A_3 = vector.shape_cast %get3A_2 : vector<1x1x64xf32> to vector<64xf32>
    %broadcast_in_dim3A = vector.shape_cast %get3A_3 : vector<64xf32> to vector<64x1xf32>
    %get3A_4 = arith.constant 0 : index
    %get3A_5 = arith.constant 0 : index
    %get3A_6 = arith.constant 0 : index
    %get3A_7 = vector.load %arg2[%get3A_4, %get3A_5, %get3A_6] : memref<1x1x1024xf32, #tpu.memory_space<vmem>>, vector<1x1x1024xf32>
    %get3A_8 = vector.shape_cast %get3A_7 : vector<1x1x1024xf32> to vector<1024xf32>
    %broadcast_in_dim3A_9 = vector.shape_cast %get3A_8 : vector<1024xf32> to vector<1x1024xf32>
    %mul3A = vector.broadcast %broadcast_in_dim3A : vector<64x1xf32> to vector<64x1024xf32>
    %mul3A_10 = vector.broadcast %broadcast_in_dim3A_9 : vector<1x1024xf32> to vector<64x1024xf32>
    %mul3A_11 = arith.mulf %mul3A, %mul3A_10 : vector<64x1024xf32>
    %get3A_12 = arith.constant 0 : index
    %get3A_13 = arith.constant 0 : index
    %get3A_14 = arith.constant 0 : index
    %get3A_15 = vector.load %arg4[%get3A_12, %get3A_13, %get3A_14] : memref<1x1x64xf32, #tpu.memory_space<vmem>>, vector<1x1x64xf32>
    %get3A_16 = vector.shape_cast %get3A_15 : vector<1x1x64xf32> to vector<64xf32>
    %broadcast_in_dim3A_17 = vector.shape_cast %get3A_16 : vector<64xf32> to vector<64x1xf32>
    %add3A = vector.broadcast %broadcast_in_dim3A_17 : vector<64x1xf32> to vector<64x1024xf32>
    %add3A_18 = arith.addf %mul3A_11, %add3A : vector<64x1024xf32>
    %swap3A = arith.constant 0 : index
    %swap3A_19 = arith.constant 0 : index
    %swap3A_20 = vector.load %arg6[%swap3A, %swap3A_19] : memref<64x1024xf32, #tpu.memory_space<vmem>>, vector<64x1024xf32>
    tpu.vector_store %arg6[%swap3A, %swap3A_19], %add3A_18 {strides = array<i32>} : memref<64x1024xf32, #tpu.memory_space<vmem>>, vector<64x1024xf32>,
    return
  }
  func.func @transform_0(%arg0: i32, %arg1: i32) -> (i32, i32, i32) {
    %c0_i32 = arith.constant 0 : i32
    %c0_i32_0 = arith.constant 0 : i32
    return %arg0, %c0_i32, %arg1 : i32, i32, i32
  }
  func.func @transform_1(%arg0: i32, %arg1: i32) -> (i32, i32, i32) {
    %c0_i32 = arith.constant 0 : i32
    %c0_i32_0 = arith.constant 0 : i32
    %c0_i32_1 = arith.constant 0 : i32
    return %arg0, %c0_i32, %c0_i32_0 : i32, i32, i32
  }
  func.func @transform_2(%arg0: i32, %arg1: i32) -> (i32, i32, i32) {
    %c0_i32 = arith.constant 0 : i32
    %c0_i32_0 = arith.constant 0 : i32
    %c0_i32_1 = arith.constant 0 : i32
    return %arg0, %c0_i32, %c0_i32_0 : i32, i32, i32
  }
  func.func @transform_4(%arg0: i32, %arg1: i32) -> (i32, i32) {
    %c0_i32 = arith.constant 0 : i32
    return %arg0, %arg1 : i32, i32
  }
}

</mosaic_0001>

<sc_bundles>
// kernel: kernel.5.cloned.1.call-start
scs
__scs_entry_jumppad:
0x0: {  	(pc) =	sbr.rel $0x88, $3  }
0x1: {  	(tag) =	ssettag $0x0;
	lr =	simm.s32 $0x1  }
0x2: {  	[smem:$0x3F9C] =	sst lr;
	_ =	strace $0xD0000000  }
0x3: {  	_ = 	snop  }
0x4: {  	_ = 	snop  }
0x5: {  	_ = 	snop  }
0x6: {  	_ = 	snop  }
0x7: {  	_ = 	snop  }
__scs_overlays_trampoline_lowered:
0x8: {  	[smem:$0x3FAB] =	sst s0  }
0x9: {  	[smem:$0x3FAC] =	sst s1  }
0xa: {  	[smem:$0x3FAD] =	sst s2  }
0xb: {  	[smem:$0x3FAE] =	sst s3  }
0xc: {  	[smem:$0x3FAF] =	sst s4  }
0xd: {  	[smem:$0x3FB0] =	sst s5  }
0xe: {  	[smem:$0x3FB1] =	sst s6  }
0xf: {  	[smem:$0x3FB2] =	sst s7  }
0x10: {  	[smem:$0x3FB3] =	sst s8  }
0x11: {  	[smem:$0x3FB4] =	sst s9;
	s0 =	simm.s32 @!p0 $0x0  }
0x12: {  	s1 =	sld [smem:$0x3F9A];
	s0 =	simm.s32 @p0 $0x1  }
0x13: {  	[smem:$0x3FB5] =	sst s0;
	s0 =	simm.s32 @!p1 $0x0  }
0x14: {  	s2 =	sld [smem:$0x3F99];
	s0 =	simm.s32 @p1 $0x1  }
0x15: {  	[smem:$0x3FB6] =	sst s0;
	s0 =	simm.s32 @!p2 $0x0  }
0x16: {  	s3 =	sld [smem:$0x3FDB];
	s0 =	simm.s32 @p2 $0x1  }
0x17: {  	s4 =	simm.s32 $0x1BF5;
	[smem:$0x3FB8] =	sst s0  }
0x18: {  	s0 =	sld [smem:$0x3F9B];
	_ =	swait.ge [sflag:s4], $0x0  }
0x19: {  	s7 =	sld [smem:$0x3F9C]  }
0x1a: {  	s8 =	sadd.s32 $0xFFFFE003, lr  }
0x1b: {  	s9 =	sadd.s32 $0xFFFFFEF7, lr;
	s5 =	simm.s32 $0xFFFFFFFF;
	p2 =	slt.u32 s8, $0xFFFFF086  }
0x1c: {  	p1 =	slt.u32 s9, $0xF7A;
	s5 =	simm.s32 @!p2 $0x0  }
0x1d: {  	s5 =	simm.s32 @p1 $0x1;
	p0 =	seq.s32 s7, s2  }
0x1e: {  	s7 =	smul.u32 @!p0 $0xF7A, s2;
	p2 =	seq.s32 @!p0 s5, $0x0  }
0x1f: {  	s9 =	smul.u32 $0xF7A, s1;
	s8 =	simm.s32 @!p0 $0x1BF5;
	p2 =	por !p2, p0  }
0x20: {  	[sflag:s8] =	ssyncset.s32 @!p0 $0xFFFFF086;
	s6 =	sadd.s32 @!p0 s3, s7;
	s7 =	simm.s32 @!p0 $0x108  }
0x21: {  	s3 =	sadd.s32 s3, s9;
	s6 =	sadd.s32 @!p0 $0x88, s6;
	s7 =	simm.s32 @p2 $0x1082  }
0x22: {  	[simem:s7], [sflag:s8] =	dma.local @!p0 [hbm:s6], $0xF7A  }
0x23: {  	s9 =	sor.u32 $0xD0000000, s2;
	s6 =	simm.s32 $0x108;
	_ =	swait.ge @!p0 [sflag:s8], $0x0  }
0x24: {  	s3 =	sadd.s32 $0x88, s3;
	s6 =	simm.s32 @!p1 $0x1082;
	[sflag:s4] =	ssyncset.s32 $0xFFFFF086  }
0x25: {  	[simem:s6], [sflag:s4] =	dma.local [hbm:s3], $0xF7A  }
0x26: {  	[smem:$0x3F9C] =	sst s1;
	(tag) =	ssettag s2;
	_ =	strace s9  }
0x27: {  	s1 =	sld [smem:$0x3FAC]  }
0x28: {  	s2 =	sld [smem:$0x3FAD]  }
0x29: {  	s4 =	sld [smem:$0x3FAF]  }
0x2a: {  	p0 =	seq.s32 s5, $0x0;
	s5 =	sld [smem:$0x3FB0]  }
0x2b: {  	s6 =	sld [smem:$0x3FB1]  }
0x2c: {  	s7 =	sld [smem:$0x3FB2]  }
0x2d: {  	s3 =	simm.s32 $0x108;
	s8 =	sld [smem:$0x3FB3]  }
0x2e: {  	s3 =	simm.s32 @!p0 $0x1082;
	s9 =	sld [smem:$0x3FB4]  }
0x2f: {  	lr =	sadd.s32 s0, s3;
	s0 =	sld [smem:$0x3FAB]  }
0x30: {  	s3 =	sld [smem:$0x3FAE]  }
0x31: {  	[smem:$0x3FB7] =	sst s10  }
0x32: {  	s10 =	sld [smem:$0x3FB5];
	_ =	sdelay $0x3  }
0x33: {  	p0 =	seq.s32 s10, $0x1;
	s10 =	sld [smem:$0x3FB7];
	_ =	sdelay $0x3  }
0x34: {  	[smem:$0x3FB7] =	sst s10  }
0x35: {  	s10 =	sld [smem:$0x3FB6];
	_ =	sdelay $0x3  }
0x36: {  	p1 =	seq.s32 s10, $0x1;
	s10 =	sld [smem:$0x3FB7];
	_ =	sdelay $0x3  }
0x37: {  	[smem:$0x3FB7] =	sst s10  }
0x38: {  	s10 =	sld [smem:$0x3FB8]  }
0x39: {  	_ = 	snop;
	(pc) =	sbr.ind lr, $3  }
0x3a: {  	_ = 	snop  }
0x3b: {  	_ = 	snop  }
0x3c: {  	p2 =	seq.s32 s10, $0x1;
	s10 =	sld [smem:$0x3FB7]  }
0x3d: {  	_ =	shalt  }
0x3e: {  	_ =	shalt  }
0x3f: {  	_ =	shalt  }
0x40: {  	_ =	shalt  }
0x41: {  	_ =	shalt  }
0x42: {  	_ =	shalt  }
0x43: {  	_ =	shalt  }
0x44: {  	_ =	shalt  }
0x45: {  	_ =	shalt  }
0x46: {  	_ =	shalt  }
0x47: {  	_ =	shalt  }
0x48: {  	_ =	shalt  }
0x49: {  	_ =	shalt  }
0x4a: {  	_ =	shalt  }
0x4b: {  	_ =	shalt  }
0x4c: {  	_ =	shalt  }
0x4d: {  	_ =	shalt  }
0x4e: {  	_ =	shalt  }
0x4f: {  	_ =	shalt  }
0x50: {  	_ =	shalt  }
0x51: {  	_ =	shalt  }
0x52: {  	_ =	shalt  }
0x53: {  	_ =	shalt  }
0x54: {  	_ =	shalt  }
0x55: {  	_ =	shalt  }
0x56: {  	_ =	shalt  }
0x57: {  	_ =	shalt  }
0x58: {  	_ =	shalt  }
0x59: {  	_ =	shalt  }
0x5a: {  	_ =	shalt  }
0x5b: {  	_ =	shalt  }
0x5c: {  	_ =	shalt  }
0x5d: {  	_ =	shalt  }
0x5e: {  	_ =	shalt  }
0x5f: {  	_ =	shalt  }
0x60: {  	_ =	shalt  }
0x61: {  	_ =	shalt  }
0x62: {  	_ =	shalt  }
0x63: {  	_ =	shalt  }
0x64: {  	_ =	shalt  }
0x65: {  	_ =	shalt  }
0x66: {  	_ =	shalt  }
0x67: {  	_ =	shalt  }
0x68: {  	_ =	shalt  }
0x69: {  	_ =	shalt  }
0x6a: {  	_ =	shalt  }
0x6b: {  	_ =	shalt  }
0x6c: {  	_ =	shalt  }
0x6d: {  	_ =	shalt  }
0x6e: {  	_ =	shalt  }
0x6f: {  	_ =	shalt  }
0x70: {  	_ =	shalt  }
0x71: {  	_ =	shalt  }
0x72: {  	_ =	shalt  }
0x73: {  	_ =	shalt  }
0x74: {  	_ =	shalt  }
0x75: {  	_ =	shalt  }
0x76: {  	_ =	shalt  }
0x77: {  	_ =	shalt  }
0x78: {  	_ =	shalt  }
0x79: {  	_ =	shalt  }
0x7a: {  	_ =	shalt  }
0x7b: {  	_ =	shalt  }
0x7c: {  	_ =	shalt  }
0x7d: {  	_ =	shalt  }
0x7e: {  	_ =	shalt  }
0x7f: {  	_ =	shalt  }
0x80: {  	_ =	shalt  }
0x81: {  	_ =	shalt  }
0x82: {  	_ =	shalt  }
0x83: {  	_ =	shalt  }
0x84: {  	_ =	shalt  }
0x85: {  	_ =	shalt  }
0x86: {  	_ =	shalt  }
0x87: {  	_ =	shalt  }
.Lfunc_end0:
.L_simem_size_0:
called_computation_lowered:
.L_overlay_start_0:
0x88: {  	s2 =	sld [smem:$0x3FD9]  }
0x89: {  	s3 =	sld [smem:$0x3FFE];
	_ =	sdelay $0x1  }
0x8a: {  	s1 =	srdreg.scid  }
0x8b: {  	s0 =	sand.u32 $0x1, s1  }
0x8c: {  	s17 =	sshll.u32 s0, $0xA;
	s2 =	sadd.s32 s3, s2  }
0x8d: {  	s2 =	sadd.s32 s2, s17  }
0x8e: {  	[smem:$0x3FC3] =	sst s2  }
0x8f: {  	_ = 	snop  }
0x90: {  	s2 =	sld [smem:$0x3FD0];
	(tm) =	ssettm $0x1  }
0x91: {  	s18 =	sld [smem:$0x3FFB];
	_ =	sdelay $0x3  }
0x92: {  	_ =	strace s18  }
0x93: {  	s3 =	sld [smem:$0x3FFC];
	_ =	sdelay $0x3  }
0x94: {  	_ =	strace s3  }
0x95: {  	s3 =	sld [smem:$0x3FFD];
	_ =	sdelay $0x3  }
0x96: {  	_ =	strace s3  }
0x97: {  	_ =	strace $0x8FFFFFFF  }
0x98: {  	s19 =	sld [smem:$0x3FDB];
	_ =	sdelay $0x1  }
0x99: {  	s4 =	simm.s32 $_scs_section_size  }
0x9a: {  	s5 =	simm.s32 $_size__tile_overlayer_lowered;
	s6 =	simm.s32 $_tile_overlayer_lowered  }
0x9b: {  	s22 =	simm.s32 $0x1BFF;
	s21 =	sshll.u32 s6, $0x1;
	s3 =	sadd.s32 s4, s19  }
0x9c: {  	s7 =	simm.s32 $0x0;
	s20 =	sshll.u32 s5, $0x1;
	s5 =	sadd.s32 s21, s3  }
0x9d: {  	[timem:s7], [sflag:s22] =	dma.local [hbm:s5], s20  }
0x9e: {  	_ =	swait.ge [sflag:s22], s20  }
0x9f: {  	s4 =	ssub.s32 $0x0, s20;
	[sflag:s22] =	ssyncset.done $0x0  }
0xa0: {  	[sflag:s22] =	ssyncadd.s32 s4;
	_ =	sdelay $0x1  }
0xa1: {  	s23 =	simm.s32 $0x1B8B  }
0xa2: {  	_ =	swait.ge [sflag:s23], $0x1  }
0xa3: {  	[sflag:s23] =	ssyncset.done $0x0  }
0xa4: {  	s25 =	simm.s32 $0x1B8E;
	s24 =	sld [smem:$0x3FFE];
	[sflag:s23] =	ssyncadd.s32 $0xFFFFFFFF  }
0xa5: {  	s26 =	simm.s32 $execute0_lowered;
	[smem:$0x3FD2] =	sst s25  }
0xa6: {  	s5 =	sshll.u32 s26, $0x1;
	_ =	strace $0x80000046;
	[dreg:$0x1] =	wrdreg $0xFFFFFFFF  }
0xa7: {  	s28 =	simm.s32 $_size_execute0_lowered;
	s3 =	sadd.s32 s3, s5;
	[dreg:$0x0] =	wrdreg $0x0  }
0xa8: {  	s5 =	sshll.u32 s28, $0x1;
	[dreg:$0x2] =	wrdreg s3  }
0xa9: {  	[dreg:$0x3] =	wrdreg s5  }
0xaa: {  	[dreg:$0x4] =	wrdreg $0xC0  }
0xab: {  	_ =	task [dreg:s7], $0x5FFFF  }
0xac: {  	[dreg:$0x1] =	wrdreg $0xFFFFFFFF  }
0xad: {  	[dreg:$0x0] =	wrdreg $0x60  }
0xae: {  	[dreg:$0x2] =	wrdreg s24  }
0xaf: {  	[dreg:$0x3] =	wrdreg s2  }
0xb0: {  	[dreg:$0x4] =	wrdreg $0x9  }
0xb1: {  	_ =	task.clear_ibuf [dreg:s7], $0x5FFFF;
	_ =	strace $0x90000046  }
0xb2: {  	s29 =	simm.s32 $0x9;
	_ =	strace $0x80000048  }
0xb3: {  	_ =	swait.ge [sflag:s29], $0x1  }
0xb4: {  	[sflag:s29] =	ssyncadd.s32 $0xFFFFFFFF  }
0xb5: {  	_ =	strace $0x90000048  }
0xb6: {  	_ =	sfence  }
0xb7: {  	s30 =	sld [smem:$0x0];
	_ =	sdelay $0x2  }
0xb8: {  	s31 =	sshll.u32 s1, $0xD;
	s1 =	sshrl.u32 s1, $0x2  }
0xb9: {  	s3 =	sand.u32 $0x4000, s31;
	s1 =	sadd.s32 s1, s30  }
0xba: {  	s0 =	sor.u32 s3, s0;
	s1 =	sshll.u32 s1, $0x11  }
0xbb: {  	s0 =	sor.u32 s1, s0  }
0xbc: {  	s0 =	sadd.s32 $0x8F2B, s0  }
0xbd: {  	[sflag:s0] =	ssyncadd.remote.s32 $0x1  }
0xbe: {  	_ =	sfence.sel $0xFFFF  }
0xbf: {  	[dreg:$0x0] =	wrdreg $0xFFFFFFFF;
	(pc) =	sbr.abs _section_cstart, $3  }
0xc0: {  	[dreg:$0x1] =	wrdreg $0xFFFFFFFF  }
0xc1: {  	_ =	task.clear_ibuf [dreg:s7], $0x2FFFF;
	_ =	strace $0x9FFFFFFF  }
0xc2: {  	(tm) =	ssettm $0x7FFFFFFF  }
0xc3: {  	_ =	shalt  }
tec
execute0_lowered:
.L_overlay_start_1:
0x0: {  	(tag) =	ssettag $0x1  }
0x1: {  	v0 =	vimm.s32 $0xF80  }
0x2: {  	vm14 =	vcmask $0x300;
	vm13 =	vcmask $0x704;
	vm12 =	vcmask $0xB08  }
0x3: {  	vm11 =	vcmask $0xF0C;
	vm10 =	vcmask $0x1310;
	vm9 =	vcmask $0x1714  }
0x4: {  	vm8 =	vcmask $0x1B18;
	vm7 =	vcmask $0x1F1C;
	vm6 =	vcmask $0x2320  }
0x5: {  	vm5 =	vcmask $0x2724;
	vm4 =	vcmask $0x2B28;
	vm3 =	vcmask $0x2F2C  }
0x6: {  	vm2 =	vcmask $0x3330;
	vm1 =	vcmask $0x3734;
	vm0 =	vcmask $0x3B38  }
0x7: {  	v1 =	vimm.s32 $0x2780;
	v2 =	vimm.s32 $0x3F80;
	v3 =	vimm.s32 $0x5780  }
0x8: {  	v0 =	vsel vm14, $0x0, v0;
	v1 =	vsel vm14, $0x1800, v1;
	v2 =	vsel vm14, $0x3000, v2  }
0x9: {  	v3 =	vsel vm14, $0x4800, v3;
	v0 =	vsel vm13, $0x80, v0;
	v1 =	vsel vm13, $0x1880, v1  }
0xa: {  	v2 =	vsel vm13, $0x3080, v2;
	v3 =	vsel vm13, $0x4880, v3;
	v0 =	vsel vm12, $0x100, v0  }
0xb: {  	v1 =	vsel vm12, $0x1900, v1;
	v2 =	vsel vm12, $0x3100, v2;
	v3 =	vsel vm12, $0x4900, v3  }
0xc: {  	v0 =	vsel vm11, $0x180, v0;
	v1 =	vsel vm11, $0x1980, v1;
	v2 =	vsel vm11, $0x3180, v2  }
0xd: {  	v3 =	vsel vm11, $0x4980, v3;
	v0 =	vsel vm10, $0x200, v0;
	v1 =	vsel vm10, $0x1A00, v1  }
0xe: {  	s0 =	rddreg [dreg:$0x0];
	v2 =	vsel vm10, $0x3200, v2;
	v3 =	vsel vm10, $0x4A00, v3;
	v0 =	vsel vm9, $0x280, v0  }
0xf: {  	s2 =	rddreg [dreg:$0x1];
	v1 =	vsel vm9, $0x1A80, v1;
	v2 =	vsel vm9, $0x3280, v2;
	v3 =	vsel vm9, $0x4A80, v3  }
0x10: {  	s1 =	simm.s32 $0x0;
	s3 =	srdreg.scid;
	s5 =	stileid.u32;
	v0 =	vsel vm8, $0x300, v0;
	v1 =	vsel vm8, $0x1B00, v1;
	v2 =	vsel vm8, $0x3300, v2  }
0x11: {  	s9 =	simm.s32 $0x100;
	s12 =	simm.s32 $0x1;
	s13 =	simm.s32 $0x13400;
	v3 =	vsel vm8, $0x4B00, v3;
	v0 =	vsel vm7, $0x380, v0;
	v1 =	vsel vm7, $0x1B80, v1  }
0x12: {  	s14 =	simm.s32 $0x14000;
	s15 =	simm.s32 $0x14C00;
	s16 =	simm.s32 $0x15800;
	v2 =	vsel vm7, $0x3380, v2;
	v3 =	vsel vm7, $0x4B80, v3;
	v0 =	vsel vm6, $0xC00, v0  }
0x13: {  	s17 =	simm.s32 $0x16400;
	s18 =	simm.s32 $0x17000;
	s19 =	simm.s32 $0x17C00;
	v1 =	vsel vm6, $0x2400, v1;
	v2 =	vsel vm6, $0x3C00, v2;
	v3 =	vsel vm6, $0x5400, v3  }
0x14: {  	s20 =	simm.s32 $0x18800;
	s21 =	simm.s32 $0x2;
	s22 =	simm.s32 $0x4;
	v0 =	vsel vm5, $0xC80, v0;
	v1 =	vsel vm5, $0x2480, v1;
	v2 =	vsel vm5, $0x3C80, v2  }
0x15: {  	s23 =	simm.s32 $0x19400;
	s24 =	simm.s32 $0x1A000;
	s28 =	simm.s32 $0x1C400;
	v3 =	vsel vm5, $0x5480, v3;
	v0 =	vsel vm4, $0xD00, v0;
	v1 =	vsel vm4, $0x2500, v1  }
0x16: {  	s29 =	simm.s32 $0x1D000;
	s30 =	simm.s32 $0x1DC00;
	s4 =	sand.u32 $0x1, s3;
	v2 =	vsel vm4, $0x3D00, v2;
	v3 =	vsel vm4, $0x5500, v3;
	v0 =	vsel vm3, $0xD80, v0  }
0x17: {  	s31 =	simm.s32 $0x1E800;
	s5 =	sshll.u32 s5, $0xA;
	s6 =	sshll.u32 s4, $0x9;
	v1 =	vsel vm3, $0x2580, v1;
	v2 =	vsel vm3, $0x3D80, v2;
	v0 =	vsel vm2, $0xE00, v0  }
0x18: {  	[smem:$0x7FF] =	sst s1;
	s25 =	ssub.s32 $0x2, s4;
	s5 =	sor.u32 s6, s5;
	v3 =	vsel vm3, $0x5580, v3;
	v1 =	vsel vm2, $0x2600, v1;
	v0 =	vsel vm1, $0xE80, v0  }
0x19: {  	s3 =	sadd.s32 $0x1200, s0;
	s8 =	sshrl.u32 s25, $0x1;
	s7 =	sshrl.u32 s5, $0x3;
	v2 =	vsel vm2, $0x3E00, v2;
	v1 =	vsel vm1, $0x2680, v1;
	v0 =	vsel vm0, $0xF00, v0  }
0x1a: {  	s4 =	sadd.s32 s2, s5;
	s26 =	ssub.s32 s25, s8;
	s8 =	simm.s32 $0x5;
	v3 =	vsel vm2, $0x5600, v3;
	v2 =	vsel vm1, $0x3E80, v2;
	v62 =	vsel vm0, $0x2700, v1;
	[tilespmem:$0x1FFC0] =	vst v0  }
0x1b: {  	s25 =	simm.s32 $0x1AC00;
	s0 =	sadd.s32 s7, s0;
	v3 =	vsel vm1, $0x5680, v3;
	v63 =	vsel vm0, $0x3F00, v2;
	_ =	strace $0x80000047;
	[tilespmem:$0x1FFD0] =	vst v62  }
0x1c: {  	s5 =	sadd.s32 $0x100, s4;
	s2 =	smax.u32 s26, $0x1;
	s26 =	simm.s32 $0x1B800;
	v56 =	vsel vm0, $0x5700, v3;
	[tilespmem:$0x1FFE0] =	vst v63  }
0x1d: {  	s7 =	sadd.s32 $0x66C00, s0;
	[dreg:$0x3] =	wrdreg s2;
	s2 =	simm.s32 $0x0;
	[tilespmem:$0x1FFF0] =	vst v56  }
.LBB2_1:
0x1e: {  	[dreg:$0x4] =	wrdreg s2;
	s0 =	simm.s32 $0x0;
	s11 =	sadd.s32 $0x0, s7  }
0x1f: {  	[tilespmem:s0], [sflag:$0x5] =	stream.linear.gather [hbm4b:s11+s1], $0x200, $0x38;
	[tilespmem:$0x1F400] =	vst v63  }
0x20: {  	_ =	swait.ge [sflag:s8], $0x200  }
0x21: {  	s0 =	simm.s32 $0x800;
	[sflag:s8] =	ssyncset.done $0x0  }
.LBB2_2:
0x22: {  	s2 =	sshra.s32 s0, $0x2  }
0x23: {  	s6 =	sadd.s32 s0, s7;
	[sflag:s8] =	ssyncadd.s32 $0xFFFFFE00;
	p0 =	sne.s32 s0, $0xC800  }
0x24: {  	[tilespmem:s2], [sflag:$0x5] =	stream.linear.gather [hbm4b:s6+s1], $0x200, $0x38;
	[tilespmem:$0x1F400] =	vst v63  }
.Ltmp0:
0x25: {  	_ = 	snop;
	(pc) =	sbr.rel @p0 .LBB2_2-.Ltmp0, $4  }
0x26: {  	_ = 	snop  }
0x27: {  	s0 =	sadd.s32 $0x800, s0  }
0x28: {  	_ =	swait.ge [sflag:s8], $0x200  }
0x29: {  	[sflag:s8] =	ssyncset.done $0x0  }
0x2a: {  	[sflag:s8] =	ssyncadd.s32 $0xFFFFFE00;
	s6 =	simm.s32 $0x0;
	s0 =	simm.s32 $0x3400  }
0x2b: {  	[tilespmem:s0], [sflag:$0x1] =	stream.indirect.gather [hbm4b:s3+s9], $0x80, s6, s9, $0xb8;
	[tilespmem:$0x1F400] =	vst v63  }
.LBB2_4:
0x2c: {  	s0 =	sshll.u32 s6, $0x9  }
0x2d: {  	s2 =	sand.u32 $0x3FFFFE00, s0  }
0x2e: {  	s10 =	simm.s32 $0xB400;
	s0 =	sor.u32 $0x100, s2  }
0x2f: {  	[tilespmem:s10], [sflag:$0x2] =	stream.indirect.gather [hbm4b:s3+s9], $0x80, s0, s9, $0xb8;
	[tilespmem:$0x1F400] =	vst v63  }
0x30: {  	_ =	swait.ge [sflag:s12], $0x8000  }
0x31: {  	p0 =	seq.s32 s6, $0x0;
	[sflag:s12] =	ssyncset.done $0x0  }
0x32: {  	s0 =	simm.s32 @!p0 $0x3;
	[sflag:s12] =	ssyncadd.s32 $0xFFFF8000  }
0x33: {  	_ =	swait.ge @!p0 [sflag:s0], $0x4000  }
0x34: {  	v2 =	vld [tilespmem:$0x1FFC0]  }
0x35: {  	[sflag:s0] =	ssyncset.done @!p0 $0x0  }
0x36: {  	v4 =	vimm.s32 $0x0;
	[sflag:s0] =	ssyncadd.s32 @!p0 $0xFFFFC000;
	s0 =	simm.s32 $0x3800  }
0x37: {  	v7 =	vshll.u32 v4, $0x3;
	v14 =	vld [tilespmem:s0+$0x300]  }
0x38: {  	v6 =	vand.u32 $0x70, v4;
	v17 =	vand.u32 $0xFFFFFC00, v7;
	v5 =	vld [tilespmem:s0+$0x80]  }
0x39: {  	v19 =	vor.u32 $0xF, v6;
	v15 =	vld [tilespmem:s0+$0xFFFFFF00];
	v20 =	vadd.s32 v2, v17  }
0x3a: {  	v8 =	vld [tilespmem:s0+$0x380];
	v21 =	vor.u32 v19, v20  }
0x3b: {  	v7 =	vor.u32 $0x4, v6;
	v12 =	vld [tilespmem:s0+$0xFFFFFC00];
	v23 =	vor.u32 v6, v20  }
0x3c: {  	v24 =	vld [tilespmem:s0+$0xFFFFFE00];
	v25 =	vor.u32 v7, v20  }
0x3d: {  	v16 =	vld [tilespmem:s0+$0xFFFFFF80]  }
0x3e: {  	v18 =	vld [tilespmem:s0+$0x180]  }
0x3f: {  	v22 =	vld [tilespmem:s0+$0xFFFFFE80];
	[tilespmem:v21+s13+$0x0] =	vst.idx.msk $0xffff, v8  }
0x40: {  	v26 =	vld [tilespmem:s0+$0x100];
	[tilespmem:v23+s13+$0x0] =	vst.idx.msk $0xffff, v12  }
0x41: {  	v11 =	vor.u32 $0x9, v6;
	v28 =	vld [tilespmem:s0+$0xFFFFFC80];
	[tilespmem:v25+s13+$0x0] =	vst.idx.msk $0xffff, v24  }
0x42: {  	v9 =	vor.u32 $0xB, v6;
	v27 =	vor.u32 v11, v20;
	v51 =	vld [tilespmem:$0x1FFD0]  }
0x43: {  	v10 =	vor.u32 $0x6, v6;
	v30 =	vld [tilespmem:s0+$0x0];
	v29 =	vor.u32 v9, v20  }
0x44: {  	v13 =	vor.u32 $0x7, v6;
	v32 =	vld [tilespmem:s0+$0xFFFFFD00];
	v31 =	vor.u32 v10, v20  }
0x45: {  	v37 =	vld [tilespmem:s0+$0xFFFFFD80];
	v8 =	vor.u32 $0x5, v6;
	v21 =	vor.u32 v13, v20  }
0x46: {  	v12 =	vor.u32 $0x8, v6;
	v23 =	vld [tilespmem:s0+$0x390];
	v33 =	vor.u32 v8, v20  }
0x47: {  	v34 =	vld [tilespmem:s0+$0xFFFFFC10];
	v24 =	vor.u32 v12, v20;
	[tilespmem:v27+s13+$0x0] =	vst.idx.msk $0xffff, v5;
	v25 =	vadd.s32 v51, v17  }
0x48: {  	v35 =	vld [tilespmem:s0+$0xFFFFFE10];
	[tilespmem:v29+s13+$0x0] =	vst.idx.msk $0xffff, v18;
	v5 =	vor.u32 v6, v25  }
0x49: {  	[tilespmem:v31+s13+$0x0] =	vst.idx.msk $0xffff, v15;
	v27 =	vld [tilespmem:s0+$0x90];
	v18 =	vor.u32 v19, v25  }
0x4a: {  	v29 =	vor.u32 $0xA, v6;
	v15 =	vld [tilespmem:s0+$0x190];
	[tilespmem:v21+s13+$0x0] =	vst.idx.msk $0xffff, v16;
	v31 =	vor.u32 v9, v25  }
0x4b: {  	v36 =	vld [tilespmem:s0+$0xFFFFFF10];
	v16 =	vor.u32 v29, v20;
	[tilespmem:v33+s13+$0x0] =	vst.idx.msk $0xffff, v22  }
0x4c: {  	v21 =	vld [tilespmem:s0+$0xFFFFFF90];
	[tilespmem:v24+s13+$0x0] =	vst.idx.msk $0xffff, v30;
	v22 =	vor.u32 v7, v25  }
0x4d: {  	v33 =	vld [tilespmem:s0+$0xFFFFFE90];
	v24 =	vor.u32 v8, v25;
	[tilespmem:v5+s13+$0x0] =	vst.idx.msk $0xffff, v34  }
0x4e: {  	v38 =	vor.u32 $0x3, v6;
	v30 =	vor.u32 v10, v25;
	v5 =	vld [tilespmem:s0+$0x10];
	[tilespmem:v18+s13+$0x0] =	vst.idx.msk $0xffff, v23  }
0x4f: {  	v46 =	vor.u32 v38, v20;
	v57 =	vld [tilespmem:$0x1FFE0];
	[tilespmem:v31+s13+$0x0] =	vst.idx.msk $0xffff, v15  }
0x50: {  	v18 =	vor.u32 v11, v25;
	v34 =	vld [tilespmem:s0+$0xFFFFFC20];
	[tilespmem:v16+s13+$0x0] =	vst.idx.msk $0xffff, v26  }
0x51: {  	v48 =	vor.u32 $0xE, v6;
	v47 =	vor.u32 v13, v25;
	v15 =	vld [tilespmem:s0+$0x3A0];
	[tilespmem:v22+s13+$0x0] =	vst.idx.msk $0xffff, v35  }
0x52: {  	v50 =	vor.u32 v48, v20;
	v16 =	vor.u32 $0x2, v6;
	[tilespmem:v24+s13+$0x0] =	vst.idx.msk $0xffff, v33;
	v24 =	vld [tilespmem:s0+$0x280]  }
0x53: {  	[tilespmem:v30+s13+$0x0] =	vst.idx.msk $0xffff, v36;
	v30 =	vld [tilespmem:s0+$0x200];
	v45 =	vor.u32 v16, v20  }
0x54: {  	v26 =	vor.u32 v12, v25;
	[tilespmem:v46+s13+$0x0] =	vst.idx.msk $0xffff, v37;
	v22 =	vld [tilespmem:s0+$0x110]  }
0x55: {  	v39 =	vld [tilespmem:s0+$0xFFFFFF20];
	[tilespmem:v18+s13+$0x0] =	vst.idx.msk $0xffff, v27;
	v18 =	vor.u32 v29, v25  }
0x56: {  	v59 =	vor.u32 v38, v25;
	[tilespmem:v47+s13+$0x0] =	vst.idx.msk $0xffff, v21;
	v37 =	vld [tilespmem:s0+$0xFFFFFD90];
	v23 =	vadd.s32 v57, v17  }
0x57: {  	[tilespmem:v50+s13+$0x0] =	vst.idx.msk $0xffff, v14;
	v41 =	vld [tilespmem:s0+$0xFFFFFEA0];
	v31 =	vor.u32 v19, v23  }
0x58: {  	v27 =	vld [tilespmem:s0+$0xA0];
	[tilespmem:v45+s13+$0x0] =	vst.idx.msk $0xffff, v32;
	v14 =	vor.u32 v11, v23  }
0x59: {  	v21 =	vor.u32 v16, v25;
	[tilespmem:v26+s13+$0x0] =	vst.idx.msk $0xffff, v5;
	v40 =	vld [tilespmem:s0+$0xFFFFFD10]  }
0x5a: {  	v63 =	vld [tilespmem:s0+$0xFFFFFFA0];
	v61 =	vor.u32 v13, v23;
	[tilespmem:v18+s13+$0x0] =	vst.idx.msk $0xffff, v22  }
0x5b: {  	v52 =	vor.u32 $0x1, v6;
	v49 =	vor.u32 v10, v23;
	[tilespmem:v59+s13+$0x0] =	vst.idx.msk $0xffff, v37;
	v22 =	vld [tilespmem:s0+$0x120]  }
0x5c: {  	v17 =	vadd.s32 v56, v17;
	v18 =	vor.u32 v52, v20;
	[tilespmem:v31+s13+$0x0] =	vst.idx.msk $0xffff, v15;
	v31 =	vld [tilespmem:s0+$0x20]  }
0x5d: {  	v19 =	vor.u32 v19, v17;
	v15 =	vor.u32 $0xC, v6;
	[tilespmem:v14+s13+$0x0] =	vst.idx.msk $0xffff, v27;
	v5 =	vld [tilespmem:s0+$0x3B0]  }
0x5e: {  	v26 =	vor.u32 v15, v20;
	[tilespmem:v21+s13+$0x0] =	vst.idx.msk $0xffff, v40;
	v21 =	vld [tilespmem:s0+$0xFFFFFE20]  }
0x5f: {  	v42 =	vor.u32 $0xD, v6;
	v44 =	vor.u32 v12, v23;
	[tilespmem:v61+s13+$0x0] =	vst.idx.msk $0xffff, v63;
	v43 =	vld [tilespmem:s0+$0xB0]  }
0x60: {  	[tilespmem:v49+s13+$0x0] =	vst.idx.msk $0xffff, v39;
	v20 =	vor.u32 v42, v20;
	v36 =	vld [tilespmem:s0+$0xFFFFFFB0]  }
0x61: {  	v54 =	vor.u32 v16, v23;
	[tilespmem:v18+s13+$0x0] =	vst.idx.msk $0xffff, v28;
	v18 =	vld [tilespmem:s0+$0xFFFFFD20]  }
0x62: {  	v28 =	vor.u32 v7, v23;
	v55 =	vld [tilespmem:s0+$0xFFFFFC90];
	[tilespmem:v19+s13+$0x0] =	vst.idx.msk $0xffff, v5  }
0x63: {  	v19 =	vld [tilespmem:s0+$0x1A0];
	[tilespmem:v26+s13+$0x0] =	vst.idx.msk $0xffff, v30;
	v26 =	vor.u32 v29, v23  }
0x64: {  	v58 =	vor.u32 v52, v25;
	[tilespmem:v44+s13+$0x0] =	vst.idx.msk $0xffff, v31;
	v5 =	vld [tilespmem:s0+$0xFFFFFF30]  }
0x65: {  	v62 =	vor.u32 v11, v17;
	[tilespmem:v20+s13+$0x0] =	vst.idx.msk $0xffff, v24;
	v31 =	vld [tilespmem:s0+$0x30]  }
0x66: {  	v53 =	vor.u32 v9, v23;
	v30 =	vld [tilespmem:s0+$0x210];
	[tilespmem:v54+s13+$0x0] =	vst.idx.msk $0xffff, v18  }
0x67: {  	v27 =	vor.u32 v15, v25;
	[tilespmem:v28+s13+$0x0] =	vst.idx.msk $0xffff, v21;
	v20 =	vld [tilespmem:s0+$0xFFFFFD30]  }
0x68: {  	v56 =	vor.u32 v48, v25;
	[tilespmem:v26+s13+$0x0] =	vst.idx.msk $0xffff, v22;
	v22 =	vld [tilespmem:s0+$0x310]  }
0x69: {  	v21 =	vor.u32 v6, v23;
	v24 =	vld [tilespmem:s0+$0xFFFFFE30];
	[tilespmem:v58+s13+$0x0] =	vst.idx.msk $0xffff, v55  }
0x6a: {  	v45 =	vor.u32 v52, v23;
	[tilespmem:v62+s13+$0x0] =	vst.idx.msk $0xffff, v43;
	v39 =	vld [tilespmem:s0+$0xFFFFFCA0]  }
0x6b: {  	v26 =	vor.u32 v8, v23;
	[tilespmem:v53+s13+$0x0] =	vst.idx.msk $0xffff, v19;
	v19 =	vld [tilespmem:s0+$0x290]  }
0x6c: {  	v33 =	vor.u32 v6, v17;
	v6 =	vor.u32 v9, v17;
	[tilespmem:v27+s13+$0x0] =	vst.idx.msk $0xffff, v30;
	v46 =	vld [tilespmem:s0+$0x1B0]  }
0x6d: {  	v14 =	vld [tilespmem:s0+$0x130];
	[tilespmem:v56+s13+$0x0] =	vst.idx.msk $0xffff, v22;
	v22 =	vor.u32 v29, v17  }
0x6e: {  	v60 =	vor.u32 v48, v23;
	[tilespmem:v21+s13+$0x0] =	vst.idx.msk $0xffff, v34;
	v28 =	vld [tilespmem:s0+$0x320]  }
0x6f: {  	v11 =	vor.u32 v38, v23;
	v27 =	vld [tilespmem:s0+$0xFFFFFDA0];
	[tilespmem:v45+s13+$0x0] =	vst.idx.msk $0xffff, v39;
	v29 =	vor.u32 v42, v25  }
0x70: {  	v37 =	vor.u32 v42, v23;
	v32 =	vor.u32 v12, v17;
	v21 =	vld [tilespmem:s0+$0xFFFFFC30];
	[tilespmem:v26+s13+$0x0] =	vst.idx.msk $0xffff, v41  }
0x71: {  	v9 =	vor.u32 v16, v17;
	v16 =	vor.u32 v8, v17;
	v25 =	vld [tilespmem:s0+$0x220];
	[tilespmem:v6+s13+$0x0] =	vst.idx.msk $0xffff, v46  }
0x72: {  	v30 =	vor.u32 v48, v17;
	v34 =	vor.u32 v15, v23;
	v23 =	vld [tilespmem:s0+$0xFFFFFCB0];
	[tilespmem:v22+s13+$0x0] =	vst.idx.msk $0xffff, v14  }
0x73: {  	v15 =	vor.u32 v15, v17;
	v26 =	vor.u32 v13, v17;
	v18 =	vld [tilespmem:s0+$0xFFFFFEB0];
	[tilespmem:v60+s13+$0x0] =	vst.idx.msk $0xffff, v28  }
0x74: {  	v4 =	vadd.s32 $0x10, v4;
	v13 =	vor.u32 v52, v17;
	[tilespmem:v29+s13+$0x0] =	vst.idx.msk $0xffff, v19;
	v19 =	vor.u32 v10, v17;
	v14 =	vld [tilespmem:s0+$0x330]  }
0x75: {  	s11 =	simm.s32 $0x4000;
	s10 =	simm.s32 $0x0;
	v10 =	vor.u32 v38, v17;
	v22 =	vor.u32 v42, v17;
	v28 =	vor.u32 v7, v17;
	v35 =	vld [tilespmem:s0+$0x2A0]  }
.LBB2_5:
0x76: {  	_ =	sdelay $0x2  }
0x77: {  	v6 =	vld [tilespmem:s11+$0x300];
	[tilespmem:v30+s13+$0x0] =	vst.idx.msk $0xffff, v14  }
0x78: {  	[tilespmem:v34+s13+$0x0] =	vst.idx.msk $0xffff, v25  }
0x79: {  	v38 =	vld [tilespmem:s11+$0x80];
	[tilespmem:v11+s13+$0x0] =	vst.idx.msk $0xffff, v27  }
0x7a: {  	v61 =	vld [tilespmem:s11+$0xFFFFFF00];
	[tilespmem:v33+s13+$0x0] =	vst.idx.msk $0xffff, v21  }
0x7b: {  	v40 =	vld [tilespmem:s11+$0x380];
	[tilespmem:v26+s13+$0x0] =	vst.idx.msk $0xffff, v36  }
0x7c: {  	v45 =	vld [tilespmem:s11+$0x180];
	[tilespmem:v28+s13+$0x0] =	vst.idx.msk $0xffff, v24  }
0x7d: {  	[tilespmem:v9+s13+$0x0] =	vst.idx.msk $0xffff, v20;
	v9 =	vld [tilespmem:s11+$0xFFFFFE80]  }
0x7e: {  	v8 =	vshll.u32 v4, $0x3;
	[tilespmem:v37+s13+$0x0] =	vst.idx.msk $0xffff, v35;
	v39 =	vld [tilespmem:s0+$0xFFFFFDB0]  }
0x7f: {  	v7 =	vand.u32 $0x70, v4;
	v30 =	vand.u32 $0xFFFFFC00, v8;
	[tilespmem:v32+s13+$0x0] =	vst.idx.msk $0xffff, v31;
	v11 =	vld [tilespmem:s0+$0x230]  }
0x80: {  	v29 =	vor.u32 $0xF, v7;
	[tilespmem:v19+s13+$0x0] =	vst.idx.msk $0xffff, v5;
	v21 =	vadd.s32 v2, v30;
	v31 =	vld [tilespmem:s0+$0x2B0]  }
0x81: {  	[tilespmem:v13+s13+$0x0] =	vst.idx.msk $0xffff, v23;
	v41 =	vld [tilespmem:s11+$0xFFFFFF80];
	v43 =	vor.u32 v29, v21  }
0x82: {  	v28 =	vor.u32 $0x4, v7;
	[tilespmem:v16+s13+$0x0] =	vst.idx.msk $0xffff, v18;
	v5 =	vld [tilespmem:s11+$0xFFFFFC00];
	v19 =	vor.u32 v7, v21  }
0x83: {  	v8 =	vor.u32 $0xB, v7;
	v49 =	vld [tilespmem:s11+$0xFFFFFE00];
	v62 =	vor.u32 v28, v21;
	[tilespmem:v10+s13+$0x0] =	vst.idx.msk $0xffff, v39  }
0x84: {  	v37 =	vor.u32 $0x6, v7;
	v36 =	vld [tilespmem:s11+$0xFFFFFC80];
	v42 =	vor.u32 v8, v21;
	[tilespmem:v15+s13+$0x0] =	vst.idx.msk $0xffff, v11  }
0x85: {  	v47 =	vor.u32 $0x7, v7;
	v46 =	vor.u32 v37, v21;
	v39 =	vld [tilespmem:s11+$0x100];
	[tilespmem:v22+s13+$0x0] =	vst.idx.msk $0xffff, v31  }
0x86: {  	v25 =	vor.u32 $0x5, v7;
	v48 =	vor.u32 v47, v21;
	v11 =	vld [tilespmem:s11+$0x0];
	[tilespmem:v43+s13+$0x0] =	vst.idx.msk $0xffff, v40  }
0x87: {  	v33 =	vor.u32 $0xE, v7;
	v44 =	vor.u32 v25, v21;
	v22 =	vld [tilespmem:s11+$0xFFFFFD00];
	[tilespmem:v19+s13+$0x0] =	vst.idx.msk $0xffff, v5  }
0x88: {  	v12 =	vor.u32 $0x9, v7;
	v24 =	vor.u32 v33, v21;
	[tilespmem:v62+s13+$0x0] =	vst.idx.msk $0xffff, v49;
	v19 =	vld [tilespmem:s11+$0x390]  }
0x89: {  	v32 =	vor.u32 $0x8, v7;
	v10 =	vor.u32 v12, v21;
	[tilespmem:v42+s13+$0x0] =	vst.idx.msk $0xffff, v45;
	v63 =	vld [tilespmem:s11+$0xFFFFFC10]  }
0x8a: {  	v14 =	vor.u32 $0x1, v7;
	v23 =	vor.u32 $0xA, v7;
	v50 =	vor.u32 v32, v21;
	[tilespmem:v46+s13+$0x0] =	vst.idx.msk $0xffff, v61;
	v53 =	vld [tilespmem:s11+$0xFFFFFE10]  }
0x8b: {  	v20 =	vor.u32 v14, v21;
	v16 =	vor.u32 v23, v21;
	[tilespmem:v48+s13+$0x0] =	vst.idx.msk $0xffff, v41;
	v34 =	vld [tilespmem:s11+$0x190]  }
0x8c: {  	v1 =	vmov v57;
	v15 =	vadd.s32 v51, v30;
	v45 =	vadd.s32 v57, v30;
	[tilespmem:v44+s13+$0x0] =	vst.idx.msk $0xffff, v9;
	v57 =	vld [tilespmem:s11+$0xFFFFFF10]  }
0x8d: {  	v42 =	vor.u32 v8, v15;
	[tilespmem:v24+s13+$0x0] =	vst.idx.msk $0xffff, v6;
	v9 =	vld [tilespmem:s11+$0xFFFFFF90]  }
0x8e: {  	v3 =	vmov v51;
	v51 =	vor.u32 v25, v15;
	v48 =	vld [tilespmem:s11+$0xFFFFFE90];
	[tilespmem:v10+s13+$0x0] =	vst.idx.msk $0xffff, v38  }
0x8f: {  	v49 =	vor.u32 v37, v15;
	[tilespmem:v50+s13+$0x0] =	vst.idx.msk $0xffff, v11;
	v56 =	vld [tilespmem:s11+$0x90]  }
0x90: {  	v5 =	vor.u32 v7, v15;
	[tilespmem:v16+s13+$0x0] =	vst.idx.msk $0xffff, v39;
	v58 =	vld [tilespmem:s11+$0x10]  }
0x91: {  	v17 =	vor.u32 $0x2, v7;
	v46 =	vor.u32 v29, v15;
	[tilespmem:v20+s13+$0x0] =	vst.idx.msk $0xffff, v36;
	v16 =	vld [tilespmem:s11+$0x110]  }
0x92: {  	v13 =	vor.u32 v17, v21;
	[tilespmem:v42+s13+$0x0] =	vst.idx.msk $0xffff, v34;
	v34 =	vld [tilespmem:s11+$0xFFFFFD80]  }
0x93: {  	v54 =	vor.u32 v28, v15;
	[tilespmem:v51+s13+$0x0] =	vst.idx.msk $0xffff, v48;
	v48 =	vld [tilespmem:s11+$0x280]  }
0x94: {  	v52 =	vor.u32 v12, v15;
	[tilespmem:v49+s13+$0x0] =	vst.idx.msk $0xffff, v57;
	v49 =	vld [tilespmem:s11+$0x200]  }
0x95: {  	v27 =	vor.u32 $0x3, v7;
	v55 =	vor.u32 v32, v15;
	[tilespmem:v5+s13+$0x0] =	vst.idx.msk $0xffff, v63;
	v57 =	vld [tilespmem:$0x1FFF0]  }
0x96: {  	v26 =	vor.u32 v27, v21;
	v10 =	vor.u32 v47, v15;
	[tilespmem:v46+s13+$0x0] =	vst.idx.msk $0xffff, v19;
	v59 =	vld [tilespmem:s11+$0xFFFFFC20]  }
0x97: {  	v40 =	vor.u32 v23, v15;
	v60 =	vor.u32 v17, v15;
	[tilespmem:v13+s13+$0x0] =	vst.idx.msk $0xffff, v22;
	v19 =	vld [tilespmem:s11+$0x3A0]  }
0x98: {  	v0 =	vor.u32 v27, v15;
	v31 =	vor.u32 v47, v45;
	[tilespmem:v54+s13+$0x0] =	vst.idx.msk $0xffff, v53;
	v51 =	vld [tilespmem:s11+$0xFFFFFF20]  }
0x99: {  	v44 =	vor.u32 v12, v45;
	v50 =	vor.u32 v29, v45;
	v6 =	vld [tilespmem:s11+$0xFFFFFE20];
	[tilespmem:v52+s13+$0x0] =	vst.idx.msk $0xffff, v56  }
0x9a: {  	v35 =	vor.u32 v32, v45;
	v5 =	vor.u32 v37, v45;
	[tilespmem:v55+s13+$0x0] =	vst.idx.msk $0xffff, v58;
	v53 =	vld [tilespmem:s11+$0xA0]  }
0x9b: {  	v43 =	vor.u32 v28, v45;
	v61 =	vor.u32 v17, v45;
	[tilespmem:v10+s13+$0x0] =	vst.idx.msk $0xffff, v9;
	v55 =	vld [tilespmem:s11+$0x20]  }
0x9c: {  	v46 =	vor.u32 v7, v45;
	v52 =	vadd.s32 v57, v30;
	v57 =	vld [tilespmem:s11+$0xFFFFFD10];
	[tilespmem:v26+s13+$0x0] =	vst.idx.msk $0xffff, v34  }
0x9d: {  	v62 =	vor.u32 v23, v45;
	[tilespmem:v40+s13+$0x0] =	vst.idx.msk $0xffff, v16;
	v26 =	vor.u32 v47, v52;
	v47 =	vld [tilespmem:s11+$0xFFFFFD90]  }
0x9e: {  	v39 =	vor.u32 v14, v45;
	[tilespmem:v50+s13+$0x0] =	vst.idx.msk $0xffff, v19;
	v9 =	vor.u32 v17, v52;
	v17 =	vld [tilespmem:s11+$0xFFFFFEA0]  }
0x9f: {  	v42 =	vor.u32 v14, v15;
	v13 =	vor.u32 v14, v52;
	v14 =	vld [tilespmem:s11+$0x120];
	[tilespmem:v5+s13+$0x0] =	vst.idx.msk $0xffff, v51  }
0xa0: {  	v11 =	vor.u32 v27, v45;
	v10 =	vor.u32 v27, v52;
	v27 =	vld [tilespmem:s11+$0x1A0];
	[tilespmem:v43+s13+$0x0] =	vst.idx.msk $0xffff, v6  }
0xa1: {  	v18 =	vor.u32 v33, v15;
	[tilespmem:v46+s13+$0x0] =	vst.idx.msk $0xffff, v59;
	v54 =	vld [tilespmem:s11+$0x3B0]  }
0xa2: {  	v41 =	vor.u32 v8, v45;
	v50 =	vor.u32 $0xC, v7;
	v29 =	vor.u32 v29, v52;
	v5 =	vld [tilespmem:s11+$0xFFFFFF30];
	[tilespmem:v60+s13+$0x0] =	vst.idx.msk $0xffff, v57  }
0xa3: {  	v63 =	vor.u32 v33, v45;
	v22 =	vor.u32 v50, v21;
	v24 =	vld [tilespmem:s11+$0xFFFFFE30];
	[tilespmem:v44+s13+$0x0] =	vst.idx.msk $0xffff, v53  }
0xa4: {  	v30 =	vor.u32 v33, v52;
	v33 =	vor.u32 v7, v52;
	v7 =	vor.u32 $0xD, v7;
	[tilespmem:v35+s13+$0x0] =	vst.idx.msk $0xffff, v55;
	v20 =	vld [tilespmem:s11+$0xFFFFFD20]  }
0xa5: {  	v21 =	vor.u32 v7, v21;
	[tilespmem:v62+s13+$0x0] =	vst.idx.msk $0xffff, v14;
	v14 =	vld [tilespmem:s11+$0x310]  }
0xa6: {  	v38 =	vor.u32 v25, v45;
	v62 =	vld [tilespmem:s11+$0xB0];
	[tilespmem:v0+s13+$0x0] =	vst.idx.msk $0xffff, v47  }
0xa7: {  	v19 =	vor.u32 v37, v52;
	v37 =	vor.u32 v7, v45;
	v0 =	vld [tilespmem:s11+$0xFFFFFFA0];
	[tilespmem:v29+s13+$0x0] =	vst.idx.msk $0xffff, v54  }
0xa8: {  	[tilespmem:v22+s13+$0x0] =	vst.idx.msk $0xffff, v49;
	v29 =	vor.u32 v7, v15;
	v22 =	vor.u32 v7, v52;
	v7 =	vld [tilespmem:s11+$0xFFFFFC90]  }
0xa9: {  	[tilespmem:v41+s13+$0x0] =	vst.idx.msk $0xffff, v27;
	v60 =	vld [tilespmem:s11+$0x130]  }
0xaa: {  	[tilespmem:v21+s13+$0x0] =	vst.idx.msk $0xffff, v48;
	v21 =	vld [tilespmem:s11+$0xFFFFFC30]  }
0xab: {  	[tilespmem:v38+s13+$0x0] =	vst.idx.msk $0xffff, v17;
	v54 =	vld [tilespmem:s11+$0x210]  }
0xac: {  	v6 =	vor.u32 v23, v52;
	v27 =	vld [tilespmem:s11+$0x290];
	[tilespmem:v61+s13+$0x0] =	vst.idx.msk $0xffff, v20  }
0xad: {  	[tilespmem:v18+s13+$0x0] =	vst.idx.msk $0xffff, v14;
	v18 =	vld [tilespmem:s11+$0xFFFFFEB0]  }
0xae: {  	v56 =	vor.u32 v50, v15;
	[tilespmem:v31+s13+$0x0] =	vst.idx.msk $0xffff, v0;
	v31 =	vld [tilespmem:s11+$0x30]  }
0xaf: {  	v20 =	vld [tilespmem:s11+$0xFFFFFD30]  }
0xb0: {  	v12 =	vor.u32 v12, v52;
	v14 =	vld [tilespmem:s11+$0x320];
	[tilespmem:v42+s13+$0x0] =	vst.idx.msk $0xffff, v7  }
0xb1: {  	[tilespmem:v6+s13+$0x0] =	vst.idx.msk $0xffff, v60;
	v6 =	vld [tilespmem:s11+$0x1B0]  }
0xb2: {  	s10 =	sadd.s32 $0x10, s10;
	v7 =	vld [tilespmem:s11+$0xFFFFFCA0]  }
0xb3: {  	p1 =	slt.u32 s10, $0xF0;
	v8 =	vor.u32 v8, v52;
	v36 =	vld [tilespmem:s11+$0xFFFFFFB0];
	[tilespmem:v56+s13+$0x0] =	vst.idx.msk $0xffff, v54  }
.Ltmp1:
0xb4: {  	[tilespmem:v29+s13+$0x0] =	vst.idx.msk $0xffff, v27;
	v27 =	vld [tilespmem:s11+$0xFFFFFDA0];
	(pc) =	sbr.rel @p1 .LBB2_5-.Ltmp1, $4  }
0xb5: {  	v16 =	vor.u32 v25, v52;
	[tilespmem:v12+s13+$0x0] =	vst.idx.msk $0xffff, v62;
	v25 =	vld [tilespmem:s11+$0x220]  }
0xb6: {  	v4 =	vadd.s32 $0x10, v4;
	v35 =	vld [tilespmem:s11+$0x2A0];
	[tilespmem:v63+s13+$0x0] =	vst.idx.msk $0xffff, v14  }
0xb7: {  	s0 =	smov.u32 s11;
	v28 =	vor.u32 v28, v52;
	v51 =	vmov v3;
	v32 =	vor.u32 v32, v52;
	v14 =	vld [tilespmem:s11+$0x330];
	[tilespmem:v39+s13+$0x0] =	vst.idx.msk $0xffff, v7  }
0xb8: {  	v34 =	vor.u32 v50, v45;
	v57 =	vmov v1;
	v15 =	vor.u32 v50, v52;
	[tilespmem:v8+s13+$0x0] =	vst.idx.msk $0xffff, v6;
	s11 =	sadd.s32 $0x800, s11;
	v23 =	vld [tilespmem:s0+$0xFFFFFCB0]  }
0xb9: {  	_ =	sdelay $0x3  }
0xba: {  	[tilespmem:v11+s13+$0x0] =	vst.idx.msk $0xffff, v27  }
0xbb: {  	[tilespmem:v33+s13+$0x0] =	vst.idx.msk $0xffff, v21  }
0xbc: {  	[tilespmem:v26+s13+$0x0] =	vst.idx.msk $0xffff, v36  }
0xbd: {  	[tilespmem:v28+s13+$0x0] =	vst.idx.msk $0xffff, v24  }
0xbe: {  	[tilespmem:v32+s13+$0x0] =	vst.idx.msk $0xffff, v31  }
0xbf: {  	[tilespmem:v19+s13+$0x0] =	vst.idx.msk $0xffff, v5  }
0xc0: {  	[tilespmem:v9+s13+$0x0] =	vst.idx.msk $0xffff, v20  }
0xc1: {  	[tilespmem:v34+s13+$0x0] =	vst.idx.msk $0xffff, v25;
	v0 =	vld [tilespmem:s0+$0xFFFFFDB0]  }
0xc2: {  	[tilespmem:v37+s13+$0x0] =	vst.idx.msk $0xffff, v35;
	v4 =	vld [tilespmem:s0+$0x230]  }
0xc3: {  	[tilespmem:v16+s13+$0x0] =	vst.idx.msk $0xffff, v18;
	v63 =	vld [tilespmem:s0+$0x2B0]  }
0xc4: {  	[tilespmem:v30+s13+$0x0] =	vst.idx.msk $0xffff, v14  }
0xc5: {  	[tilespmem:v13+s13+$0x0] =	vst.idx.msk $0xffff, v23  }
0xc6: {  	s11 =	sshll.u32 s6, $0x11;
	[tilespmem:v10+s13+$0x0] =	vst.idx.msk $0xffff, v0  }
0xc7: {  	s0 =	sadd.s32 $0x1C0000, s11;
	[tilespmem:v15+s13+$0x0] =	vst.idx.msk $0xffff, v4  }
0xc8: {  	s10 =	sadd.s32 s0, s4;
	[tilespmem:v22+s13+$0x0] =	vst.idx.msk $0xffff, v63  }
0xc9: {  	[hbm4b:s10+s1] =	stream.linear.scatter [tilespmem:s13], [sflag:$0x3], $0x800, $0x38;
	[tilespmem:$0x1F400] =	vst v63  }
0xca: {  	s11 =	sadd.s32 $0x4000, s10  }
0xcb: {  	[hbm4b:s11+s1] =	stream.linear.scatter [tilespmem:s14], [sflag:$0x3], $0x800, $0x38;
	[tilespmem:$0x1F400] =	vst v63  }
0xcc: {  	s11 =	sadd.s32 $0x8000, s10  }
0xcd: {  	[hbm4b:s11+s1] =	stream.linear.scatter [tilespmem:s15], [sflag:$0x3], $0x800, $0x38;
	[tilespmem:$0x1F400] =	vst v63  }
0xce: {  	s11 =	sadd.s32 $0xC000, s10  }
0xcf: {  	[hbm4b:s11+s1] =	stream.linear.scatter [tilespmem:s16], [sflag:$0x3], $0x800, $0x38;
	[tilespmem:$0x1F400] =	vst v63  }
0xd0: {  	s11 =	sadd.s32 $0x10000, s10  }
0xd1: {  	[hbm4b:s11+s1] =	stream.linear.scatter [tilespmem:s17], [sflag:$0x3], $0x800, $0x38;
	[tilespmem:$0x1F400] =	vst v63  }
0xd2: {  	p1 =	sne.s32 s6, $0x19;
	s11 =	sadd.s32 $0x14000, s10  }
0xd3: {  	[hbm4b:s11+s1] =	stream.linear.scatter [tilespmem:s18], [sflag:$0x3], $0x800, $0x38;
	[tilespmem:$0x1F400] =	vst v63  }
.Ltmp2:
0xd4: {  	_ = 	snop;
	(pc) =	sbr.rel @p1 .LBB2_8-.Ltmp2, $4  }
0xd5: {  	s11 =	sadd.s32 $0x18000, s10  }
0xd6: {  	[hbm4b:s11+s1] =	stream.linear.scatter [tilespmem:s19], [sflag:$0x3], $0x800, $0x38;
	[tilespmem:$0x1F400] =	vst v63  }
0xd7: {  	s10 =	sadd.s32 $0x1C000, s10  }
0xd8: {  	[hbm4b:s10+s1] =	stream.linear.scatter [tilespmem:s20], [sflag:$0x3], $0x800, $0x38;
	[tilespmem:$0x1F400] =	vst v63  }
.Ltmp3:
0xd9: {  	(pc) =	sbr.rel .LBB2_9-.Ltmp3, $4  }
0xda: {  	_ = 	snop  }
0xdb: {  	_ =	swait.ge [sflag:s21], $0x8000  }
0xdc: {  	[sflag:s21] =	ssyncset.done $0x0  }
0xdd: {  	v1 =	vld [tilespmem:$0x1FFF0];
	[sflag:s21] =	ssyncadd.s32 $0xFFFF8000  }
.LBB2_8:
.Ltmp4:
0xde: {  	s2 =	sadd.s32 $0x200, s2;
	s10 =	simm.s32 $0x3400;
	(pc) =	sbr.rel @p0 .LBB2_10-.Ltmp4, $4  }
0xdf: {  	[tilespmem:s10], [sflag:$0x1] =	stream.indirect.gather [hbm4b:s3+s9], $0x80, s2, s9, $0xb8;
	[tilespmem:$0x1F400] =	vst v63  }
0xe0: {  	_ =	swait.ge [sflag:s21], $0x8000  }
0xe1: {  	[sflag:s21] =	ssyncset.done $0x0  }
0xe2: {  	v1 =	vld [tilespmem:$0x1FFF0];
	[sflag:s21] =	ssyncadd.s32 $0xFFFF8000  }
.LBB2_9:
0xe3: {  	_ =	swait.ge [sflag:s22], $0x4000  }
0xe4: {  	[sflag:s22] =	ssyncset.done $0x0  }
0xe5: {  	[sflag:s22] =	ssyncadd.s32 $0xFFFFC000  }
.LBB2_10:
0xe6: {  	s2 =	simm.s32 $0xB800  }
0xe7: {  	v0 =	vld [tilespmem:s2+$0x300]  }
0xe8: {  	v5 =	vld [tilespmem:s2+$0x80]  }
0xe9: {  	v4 =	vimm.s32 $0x0;
	v14 =	vld [tilespmem:s2+$0xFFFFFF00]  }
0xea: {  	v8 =	vld [tilespmem:s2+$0x380];
	v7 =	vshll.u32 v4, $0x3  }
0xeb: {  	v15 =	vld [tilespmem:s2+$0xFFFFFF80];
	v6 =	vand.u32 $0x70, v4;
	v16 =	vand.u32 $0xFFFFFC00, v7  }
0xec: {  	v17 =	vld [tilespmem:s2+$0x180];
	v18 =	vor.u32 $0xF, v6;
	v19 =	vadd.s32 v2, v16  }
0xed: {  	v12 =	vld [tilespmem:s2+$0xFFFFFC00];
	v20 =	vor.u32 v18, v19  }
0xee: {  	v21 =	vld [tilespmem:s2+$0xFFFFFE80];
	v7 =	vor.u32 $0x4, v6;
	v22 =	vor.u32 v6, v19  }
0xef: {  	v23 =	vld [tilespmem:s2+$0xFFFFFE00];
	v11 =	vor.u32 $0x9, v6;
	v24 =	vor.u32 v7, v19  }
0xf0: {  	v25 =	vld [tilespmem:s2+$0x100];
	v9 =	vor.u32 $0xB, v6;
	v26 =	vor.u32 v11, v19  }
0xf1: {  	v27 =	vld [tilespmem:s2+$0xFFFFFC80];
	v10 =	vor.u32 $0x6, v6;
	v28 =	vor.u32 v9, v19  }
0xf2: {  	v29 =	vld [tilespmem:s2+$0x0];
	v37 =	vor.u32 $0x3, v6;
	v30 =	vor.u32 v10, v19;
	[tilespmem:v20+s23+$0x0] =	vst.idx.msk $0xffff, v8  }
0xf3: {  	v36 =	vld [tilespmem:s2+$0xFFFFFD80];
	v13 =	vor.u32 $0x7, v6;
	v53 =	vor.u32 v37, v19;
	[tilespmem:v22+s23+$0x0] =	vst.idx.msk $0xffff, v12  }
0xf4: {  	v31 =	vld [tilespmem:s2+$0xFFFFFD00];
	v8 =	vor.u32 $0x5, v6;
	v20 =	vor.u32 v13, v19;
	[tilespmem:v24+s23+$0x0] =	vst.idx.msk $0xffff, v23  }
0xf5: {  	v12 =	vor.u32 $0x8, v6;
	[tilespmem:v26+s23+$0x0] =	vst.idx.msk $0xffff, v5;
	v22 =	vld [tilespmem:s2+$0x390];
	v32 =	vor.u32 v8, v19  }
0xf6: {  	v24 =	vadd.s32 v51, v16;
	[tilespmem:v28+s23+$0x0] =	vst.idx.msk $0xffff, v17;
	v33 =	vld [tilespmem:s2+$0xFFFFFC10];
	v23 =	vor.u32 v12, v19  }
0xf7: {  	[tilespmem:v30+s23+$0x0] =	vst.idx.msk $0xffff, v14;
	v34 =	vld [tilespmem:s2+$0xFFFFFE10];
	v5 =	vor.u32 v6, v24  }
0xf8: {  	[tilespmem:v53+s23+$0x0] =	vst.idx.msk $0xffff, v36;
	v26 =	vld [tilespmem:s2+$0x90];
	v17 =	vor.u32 v18, v24  }
0xf9: {  	v28 =	vor.u32 $0xA, v6;
	v14 =	vld [tilespmem:s2+$0x190];
	v30 =	vor.u32 v9, v24;
	[tilespmem:v20+s23+$0x0] =	vst.idx.msk $0xffff, v15  }
0xfa: {  	v35 =	vld [tilespmem:s2+$0xFFFFFF10];
	v15 =	vor.u32 v28, v19;
	[tilespmem:v32+s23+$0x0] =	vst.idx.msk $0xffff, v21  }
0xfb: {  	v56 =	vld [tilespmem:s2+$0xFFFFFD90];
	v21 =	vor.u32 v7, v24;
	[tilespmem:v23+s23+$0x0] =	vst.idx.msk $0xffff, v29  }
0xfc: {  	v20 =	vld [tilespmem:s2+$0xFFFFFF90];
	[tilespmem:v5+s23+$0x0] =	vst.idx.msk $0xffff, v33;
	v29 =	vor.u32 v10, v24  }
0xfd: {  	[tilespmem:v17+s23+$0x0] =	vst.idx.msk $0xffff, v22;
	v17 =	vor.u32 v11, v24;
	v32 =	vld [tilespmem:s2+$0xFFFFFE90]  }
0xfe: {  	v23 =	vor.u32 v8, v24;
	[tilespmem:v30+s23+$0x0] =	vst.idx.msk $0xffff, v14;
	v5 =	vld [tilespmem:s2+$0x10]  }
0xff: {  	v54 =	vor.u32 v13, v24;
	v22 =	vadd.s32 v57, v16;
	v33 =	vld [tilespmem:s2+$0xFFFFFC20];
	[tilespmem:v15+s23+$0x0] =	vst.idx.msk $0xffff, v25  }
0x100: {  	v14 =	vld [tilespmem:s2+$0x3A0];
	v30 =	vor.u32 v18, v22;
	[tilespmem:v21+s23+$0x0] =	vst.idx.msk $0xffff, v34  }
0x101: {  	v21 =	vld [tilespmem:s2+$0x110];
	[tilespmem:v29+s23+$0x0] =	vst.idx.msk $0xffff, v35  }
0x102: {  	v15 =	vor.u32 $0x2, v6;
	v25 =	vor.u32 v12, v24;
	v29 =	vld [tilespmem:s2+$0x200];
	[tilespmem:v17+s23+$0x0] =	vst.idx.msk $0xffff, v26  }
0x103: {  	v52 =	vor.u32 v15, v19;
	[tilespmem:v23+s23+$0x0] =	vst.idx.msk $0xffff, v32;
	v23 =	vld [tilespmem:s2+$0x280]  }
0x104: {  	v40 =	vor.u32 $0xC, v6;
	v39 =	vadd.s32 v1, v16;
	v17 =	vor.u32 v28, v24;
	[tilespmem:v54+s23+$0x0] =	vst.idx.msk $0xffff, v20;
	v38 =	vld [tilespmem:s2+$0xFFFFFF20]  }
0x105: {  	v26 =	vor.u32 $0xE, v6;
	v16 =	vld [tilespmem:s2+$0xA0];
	[tilespmem:v30+s23+$0x0] =	vst.idx.msk $0xffff, v14;
	v14 =	vor.u32 v18, v39;
	v18 =	vor.u32 v40, v19  }
0x106: {  	v55 =	vor.u32 v26, v19;
	v63 =	vld [tilespmem:s2+$0xFFFFFFA0]  }
0x107: {  	[tilespmem:v25+s23+$0x0] =	vst.idx.msk $0xffff, v5;
	v5 =	vld [tilespmem:s2+$0x3B0]  }
0x108: {  	v58 =	vor.u32 $0x1, v6;
	v59 =	vld [tilespmem:s2+$0xFFFFFEA0];
	v25 =	vor.u32 v10, v22;
	[tilespmem:v52+s23+$0x0] =	vst.idx.msk $0xffff, v31  }
0x109: {  	v31 =	vld [tilespmem:s2+$0x20];
	[tilespmem:v17+s23+$0x0] =	vst.idx.msk $0xffff, v21;
	v17 =	vor.u32 v58, v19  }
0x10a: {  	v20 =	vor.u32 v15, v24;
	v30 =	vld [tilespmem:s2+$0xFFFFFD10];
	[tilespmem:v18+s23+$0x0] =	vst.idx.msk $0xffff, v29  }
0x10b: {  	v41 =	vor.u32 $0xD, v6;
	v42 =	vor.u32 v12, v22;
	v21 =	vld [tilespmem:s2+$0x120];
	[tilespmem:v55+s23+$0x0] =	vst.idx.msk $0xffff, v0  }
0x10c: {  	v18 =	vor.u32 v41, v19;
	[tilespmem:v14+s23+$0x0] =	vst.idx.msk $0xffff, v5;
	v14 =	vld [tilespmem:s2+$0x1A0]  }
0x10d: {  	v19 =	vor.u32 v28, v22;
	[tilespmem:v25+s23+$0x0] =	vst.idx.msk $0xffff, v38;
	v25 =	vld [tilespmem:s2+$0x210]  }
0x10e: {  	v0 =	vor.u32 v11, v22;
	v5 =	vld [tilespmem:s2+$0xFFFFFF30];
	[tilespmem:v17+s23+$0x0] =	vst.idx.msk $0xffff, v27  }
0x10f: {  	v29 =	vor.u32 v9, v22;
	[tilespmem:v20+s23+$0x0] =	vst.idx.msk $0xffff, v30;
	v30 =	vld [tilespmem:s2+$0xFFFFFE20]  }
0x110: {  	v27 =	vor.u32 v7, v22;
	[tilespmem:v42+s23+$0x0] =	vst.idx.msk $0xffff, v31;
	v60 =	vld [tilespmem:s2+$0xFFFFFC90]  }
0x111: {  	v20 =	vor.u32 v15, v22;
	[tilespmem:v18+s23+$0x0] =	vst.idx.msk $0xffff, v23;
	v17 =	vld [tilespmem:s2+$0xFFFFFD20]  }
0x112: {  	v18 =	vor.u32 v26, v24;
	[tilespmem:v19+s23+$0x0] =	vst.idx.msk $0xffff, v21;
	v19 =	vld [tilespmem:s2+$0x310]  }
0x113: {  	v21 =	vor.u32 v8, v22;
	[tilespmem:v0+s23+$0x0] =	vst.idx.msk $0xffff, v16;
	v31 =	vld [tilespmem:s2+$0x30]  }
0x114: {  	v16 =	vor.u32 v40, v24;
	v0 =	vld [tilespmem:s2+$0x130];
	[tilespmem:v29+s23+$0x0] =	vst.idx.msk $0xffff, v14  }
0x115: {  	v61 =	vor.u32 v37, v24;
	v14 =	vld [tilespmem:s2+$0x290];
	[tilespmem:v27+s23+$0x0] =	vst.idx.msk $0xffff, v30  }
0x116: {  	v29 =	vor.u32 v58, v24;
	[tilespmem:v20+s23+$0x0] =	vst.idx.msk $0xffff, v17;
	v17 =	vld [tilespmem:s2+$0xB0]  }
0x117: {  	v24 =	vor.u32 v41, v24;
	[tilespmem:v18+s23+$0x0] =	vst.idx.msk $0xffff, v19;
	v23 =	vld [tilespmem:s2+$0xFFFFFE30]  }
0x118: {  	v27 =	vor.u32 v6, v22;
	[tilespmem:v21+s23+$0x0] =	vst.idx.msk $0xffff, v59;
	v18 =	vor.u32 v28, v39;
	v28 =	vld [tilespmem:s2+$0x320]  }
0x119: {  	[tilespmem:v16+s23+$0x0] =	vst.idx.msk $0xffff, v25;
	v19 =	vld [tilespmem:s2+$0xFFFFFEB0]  }
0x11a: {  	v62 =	vor.u32 v11, v39;
	[tilespmem:v61+s23+$0x0] =	vst.idx.msk $0xffff, v56;
	v16 =	vor.u32 v13, v22;
	v25 =	vld [tilespmem:s2+$0x220]  }
0x11b: {  	v43 =	vor.u32 v58, v22;
	v34 =	vor.u32 v40, v22;
	v20 =	vld [tilespmem:s2+$0xFFFFFD30];
	[tilespmem:v29+s23+$0x0] =	vst.idx.msk $0xffff, v60  }
0x11c: {  	v11 =	vor.u32 v37, v22;
	v29 =	vor.u32 v26, v22;
	[tilespmem:v24+s23+$0x0] =	vst.idx.msk $0xffff, v14;
	v32 =	vld [tilespmem:s2+$0xFFFFFCA0]  }
0x11d: {  	v30 =	vor.u32 v26, v39;
	v26 =	vor.u32 v13, v39;
	v35 =	vld [tilespmem:s2+$0x2A0];
	[tilespmem:v27+s23+$0x0] =	vst.idx.msk $0xffff, v33  }
0x11e: {  	[tilespmem:v18+s23+$0x0] =	vst.idx.msk $0xffff, v0;
	v0 =	vld [tilespmem:s2+$0x1B0];
	v33 =	vor.u32 v6, v39;
	v6 =	vor.u32 v9, v39  }
0x11f: {  	v13 =	vor.u32 v58, v39;
	v24 =	vor.u32 v41, v39;
	v27 =	vld [tilespmem:s2+$0xFFFFFDA0];
	[tilespmem:v16+s23+$0x0] =	vst.idx.msk $0xffff, v63  }
0x120: {  	v9 =	vor.u32 v15, v39;
	v18 =	vor.u32 v10, v39;
	v21 =	vld [tilespmem:s2+$0xFFFFFC30];
	[tilespmem:v62+s23+$0x0] =	vst.idx.msk $0xffff, v17  }
0x121: {  	v10 =	vor.u32 v37, v39;
	v15 =	vor.u32 v40, v39;
	v36 =	vld [tilespmem:s2+$0xFFFFFFB0];
	[tilespmem:v29+s23+$0x0] =	vst.idx.msk $0xffff, v28  }
0x122: {  	v3 =	vmov v57;
	v37 =	vor.u32 v41, v22;
	v16 =	vor.u32 v8, v39;
	v14 =	vld [tilespmem:s2+$0x330];
	[tilespmem:v43+s23+$0x0] =	vst.idx.msk $0xffff, v32  }
0x123: {  	s10 =	simm.s32 $0x0;
	s11 =	simm.s32 $0xC000;
	v4 =	vadd.s32 $0x10, v4;
	v28 =	vor.u32 v7, v39;
	v32 =	vor.u32 v12, v39;
	v22 =	vld [tilespmem:s2+$0xFFFFFCB0];
	[tilespmem:v6+s23+$0x0] =	vst.idx.msk $0xffff, v0  }
.LBB2_11:
0x124: {  	_ =	sdelay $0x2  }
0x125: {  	v6 =	vld [tilespmem:s11+$0x300];
	[tilespmem:v30+s23+$0x0] =	vst.idx.msk $0xffff, v14  }
0x126: {  	[tilespmem:v34+s23+$0x0] =	vst.idx.msk $0xffff, v25  }
0x127: {  	v38 =	vld [tilespmem:s11+$0x80];
	[tilespmem:v11+s23+$0x0] =	vst.idx.msk $0xffff, v27  }
0x128: {  	v39 =	vld [tilespmem:s11+$0x380];
	[tilespmem:v33+s23+$0x0] =	vst.idx.msk $0xffff, v21  }
0x129: {  	v44 =	vld [tilespmem:s11+$0x180];
	[tilespmem:v26+s23+$0x0] =	vst.idx.msk $0xffff, v36  }
0x12a: {  	v0 =	vshll.u32 v4, $0x3;
	v1 =	vld [tilespmem:$0x1FFD0];
	[tilespmem:v28+s23+$0x0] =	vst.idx.msk $0xffff, v23  }
0x12b: {  	v30 =	vand.u32 $0xFFFFFC00, v0;
	v0 =	vld [tilespmem:s11+$0xFFFFFF00];
	[tilespmem:v37+s23+$0x0] =	vst.idx.msk $0xffff, v35  }
0x12c: {  	[tilespmem:v32+s23+$0x0] =	vst.idx.msk $0xffff, v31;
	v61 =	vld [tilespmem:s2+$0xFFFFFDB0]  }
0x12d: {  	v7 =	vand.u32 $0x70, v4;
	[tilespmem:v18+s23+$0x0] =	vst.idx.msk $0xffff, v5;
	v11 =	vld [tilespmem:s2+$0x230]  }
0x12e: {  	v29 =	vor.u32 $0xF, v7;
	[tilespmem:v9+s23+$0x0] =	vst.idx.msk $0xffff, v20;
	v21 =	vadd.s32 v2, v30;
	v31 =	vld [tilespmem:s2+$0x2B0]  }
0x12f: {  	v9 =	vld [tilespmem:s11+$0xFFFFFE80];
	[tilespmem:v13+s23+$0x0] =	vst.idx.msk $0xffff, v22;
	v42 =	vor.u32 v29, v21  }
0x130: {  	v28 =	vor.u32 $0x4, v7;
	[tilespmem:v16+s23+$0x0] =	vst.idx.msk $0xffff, v19;
	v5 =	vld [tilespmem:s11+$0xFFFFFC00];
	v18 =	vor.u32 v7, v21  }
0x131: {  	v8 =	vor.u32 $0xB, v7;
	v48 =	vld [tilespmem:s11+$0xFFFFFE00];
	v62 =	vor.u32 v28, v21;
	[tilespmem:v10+s23+$0x0] =	vst.idx.msk $0xffff, v61  }
0x132: {  	v37 =	vor.u32 $0x6, v7;
	v34 =	vld [tilespmem:s11+$0x100];
	v41 =	vor.u32 v8, v21;
	[tilespmem:v15+s23+$0x0] =	vst.idx.msk $0xffff, v11  }
0x133: {  	v46 =	vor.u32 $0x7, v7;
	v40 =	vld [tilespmem:s11+$0xFFFFFF80];
	v45 =	vor.u32 v37, v21;
	[tilespmem:v24+s23+$0x0] =	vst.idx.msk $0xffff, v31  }
0x134: {  	v25 =	vor.u32 $0x5, v7;
	v36 =	vld [tilespmem:s11+$0xFFFFFC80];
	v47 =	vor.u32 v46, v21;
	[tilespmem:v42+s23+$0x0] =	vst.idx.msk $0xffff, v39  }
0x135: {  	v22 =	vor.u32 $0xA, v7;
	v43 =	vor.u32 v25, v21;
	v11 =	vld [tilespmem:s11+$0x0];
	[tilespmem:v18+s23+$0x0] =	vst.idx.msk $0xffff, v5  }
0x136: {  	v33 =	vor.u32 $0xE, v7;
	v16 =	vor.u32 v22, v21;
	v24 =	vld [tilespmem:s11+$0xFFFFFD00];
	[tilespmem:v62+s23+$0x0] =	vst.idx.msk $0xffff, v48  }
0x137: {  	v14 =	vor.u32 $0x1, v7;
	v23 =	vor.u32 v33, v21;
	[tilespmem:v41+s23+$0x0] =	vst.idx.msk $0xffff, v44;
	v18 =	vld [tilespmem:s11+$0x390]  }
0x138: {  	v12 =	vor.u32 $0x9, v7;
	v20 =	vor.u32 v14, v21;
	[tilespmem:v45+s23+$0x0] =	vst.idx.msk $0xffff, v0;
	v63 =	vld [tilespmem:s11+$0xFFFFFC10]  }
0x139: {  	v32 =	vor.u32 $0x8, v7;
	v10 =	vor.u32 v12, v21;
	[tilespmem:v47+s23+$0x0] =	vst.idx.msk $0xffff, v40;
	v52 =	vld [tilespmem:s11+$0xFFFFFE10]  }
0x13a: {  	v17 =	vor.u32 $0x2, v7;
	v49 =	vor.u32 v32, v21;
	[tilespmem:v43+s23+$0x0] =	vst.idx.msk $0xffff, v9;
	v0 =	vld [tilespmem:s11+$0x190]  }
0x13b: {  	v13 =	vor.u32 v17, v21;
	v15 =	vadd.s32 v1, v30;
	[tilespmem:v16+s23+$0x0] =	vst.idx.msk $0xffff, v34;
	v56 =	vld [tilespmem:s11+$0xFFFFFF10]  }
0x13c: {  	v45 =	vor.u32 v29, v15;
	[tilespmem:v23+s23+$0x0] =	vst.idx.msk $0xffff, v6;
	v9 =	vld [tilespmem:s11+$0xFFFFFF90]  }
0x13d: {  	v50 =	vor.u32 v25, v15;
	[tilespmem:v20+s23+$0x0] =	vst.idx.msk $0xffff, v36;
	v47 =	vld [tilespmem:s11+$0xFFFFFE90]  }
0x13e: {  	v48 =	vor.u32 v37, v15;
	v16 =	vld [tilespmem:s11+$0x110];
	[tilespmem:v10+s23+$0x0] =	vst.idx.msk $0xffff, v38  }
0x13f: {  	v5 =	vor.u32 v7, v15;
	[tilespmem:v49+s23+$0x0] =	vst.idx.msk $0xffff, v11;
	v55 =	vld [tilespmem:s11+$0x90]  }
0x140: {  	v41 =	vor.u32 v8, v15;
	[tilespmem:v13+s23+$0x0] =	vst.idx.msk $0xffff, v24;
	v58 =	vld [tilespmem:s11+$0x10]  }
0x141: {  	v53 =	vor.u32 v28, v15;
	[tilespmem:v45+s23+$0x0] =	vst.idx.msk $0xffff, v18;
	v18 =	vld [tilespmem:s11+$0xFFFFFD80]  }
0x142: {  	v27 =	vor.u32 $0x3, v7;
	v42 =	vor.u32 v22, v15;
	[tilespmem:v50+s23+$0x0] =	vst.idx.msk $0xffff, v47;
	v47 =	vld [tilespmem:s11+$0x280]  }
0x143: {  	v26 =	vor.u32 v27, v21;
	v10 =	vor.u32 v46, v15;
	[tilespmem:v48+s23+$0x0] =	vst.idx.msk $0xffff, v56;
	v56 =	vld [tilespmem:$0x1FFF0]  }
0x144: {  	v19 =	vor.u32 v33, v15;
	v51 =	vor.u32 v12, v15;
	[tilespmem:v5+s23+$0x0] =	vst.idx.msk $0xffff, v63;
	v48 =	vld [tilespmem:s11+$0x200]  }
0x145: {  	v54 =	vor.u32 v32, v15;
	v44 =	vadd.s32 v3, v30;
	[tilespmem:v41+s23+$0x0] =	vst.idx.msk $0xffff, v0;
	v59 =	vld [tilespmem:s11+$0xFFFFFC20]  }
0x146: {  	v60 =	vor.u32 v17, v15;
	v1 =	vor.u32 v27, v15;
	[tilespmem:v53+s23+$0x0] =	vst.idx.msk $0xffff, v52;
	v0 =	vld [tilespmem:s11+$0x3A0]  }
0x147: {  	v40 =	vor.u32 v8, v44;
	v49 =	vor.u32 v29, v44;
	[tilespmem:v42+s23+$0x0] =	vst.idx.msk $0xffff, v16;
	v50 =	vld [tilespmem:s11+$0xFFFFFF20]  }
0x148: {  	v31 =	vor.u32 v46, v44;
	v5 =	vor.u32 v37, v44;
	v6 =	vld [tilespmem:s11+$0xFFFFFE20];
	[tilespmem:v10+s23+$0x0] =	vst.idx.msk $0xffff, v9  }
0x149: {  	v43 =	vor.u32 v12, v44;
	v57 =	vor.u32 v28, v44;
	[tilespmem:v51+s23+$0x0] =	vst.idx.msk $0xffff, v55;
	v55 =	vld [tilespmem:s11+$0xFFFFFD10]  }
0x14a: {  	v35 =	vor.u32 v32, v44;
	v45 =	vor.u32 v7, v44;
	[tilespmem:v54+s23+$0x0] =	vst.idx.msk $0xffff, v58;
	v52 =	vld [tilespmem:s11+$0xA0]  }
0x14b: {  	v62 =	vor.u32 v22, v44;
	v51 =	vadd.s32 v56, v30;
	v53 =	vld [tilespmem:s11+$0x20];
	[tilespmem:v26+s23+$0x0] =	vst.idx.msk $0xffff, v18  }
0x14c: {  	v39 =	vor.u32 v14, v44;
	[tilespmem:v49+s23+$0x0] =	vst.idx.msk $0xffff, v0;
	v26 =	vor.u32 v46, v51;
	v46 =	vld [tilespmem:s11+$0xFFFFFD90]  }
0x14d: {  	v41 =	vor.u32 v14, v15;
	v13 =	vor.u32 v14, v51;
	v14 =	vld [tilespmem:s11+$0x120];
	[tilespmem:v5+s23+$0x0] =	vst.idx.msk $0xffff, v50  }
0x14e: {  	v61 =	vor.u32 v17, v44;
	v9 =	vor.u32 v17, v51;
	v17 =	vld [tilespmem:s11+$0xFFFFFEA0];
	[tilespmem:v57+s23+$0x0] =	vst.idx.msk $0xffff, v6  }
0x14f: {  	v38 =	vor.u32 v25, v44;
	v29 =	vor.u32 v29, v51;
	[tilespmem:v45+s23+$0x0] =	vst.idx.msk $0xffff, v59;
	v49 =	vld [tilespmem:s11+$0x3B0]  }
0x150: {  	v11 =	vor.u32 v27, v44;
	v0 =	vor.u32 $0xC, v7;
	v10 =	vor.u32 v27, v51;
	v27 =	vld [tilespmem:s11+$0x1A0];
	[tilespmem:v60+s23+$0x0] =	vst.idx.msk $0xffff, v55  }
0x151: {  	v63 =	vor.u32 v33, v44;
	v24 =	vor.u32 v0, v21;
	v5 =	vld [tilespmem:s11+$0xFFFFFF30];
	[tilespmem:v43+s23+$0x0] =	vst.idx.msk $0xffff, v52  }
0x152: {  	v30 =	vor.u32 v33, v51;
	v33 =	vor.u32 v7, v51;
	v7 =	vor.u32 $0xD, v7;
	v23 =	vld [tilespmem:s11+$0xFFFFFE30];
	[tilespmem:v62+s23+$0x0] =	vst.idx.msk $0xffff, v14  }
0x153: {  	v18 =	vor.u32 v37, v51;
	v21 =	vor.u32 v7, v21;
	v14 =	vld [tilespmem:s11+$0x310];
	[tilespmem:v1+s23+$0x0] =	vst.idx.msk $0xffff, v46  }
0x154: {  	v54 =	vor.u32 v0, v15;
	v34 =	vor.u32 v0, v44;
	v1 =	vld [tilespmem:s11+$0xFFFFFFA0];
	[tilespmem:v29+s23+$0x0] =	vst.idx.msk $0xffff, v49  }
0x155: {  	v29 =	vor.u32 v7, v15;
	v15 =	vor.u32 v0, v51;
	v0 =	vor.u32 v12, v51;
	v12 =	vld [tilespmem:s11+$0xFFFFFD20]  }
0x156: {  	v37 =	vor.u32 v7, v44;
	[tilespmem:v24+s23+$0x0] =	vst.idx.msk $0xffff, v48;
	v24 =	vor.u32 v7, v51;
	v7 =	vld [tilespmem:s11+$0xFFFFFC90]  }
0x157: {  	[tilespmem:v35+s23+$0x0] =	vst.idx.msk $0xffff, v53;
	v62 =	vld [tilespmem:s11+$0x130]  }
0x158: {  	[tilespmem:v21+s23+$0x0] =	vst.idx.msk $0xffff, v47;
	v21 =	vld [tilespmem:s11+$0xFFFFFC30]  }
0x159: {  	[tilespmem:v40+s23+$0x0] =	vst.idx.msk $0xffff, v27;
	v58 =	vld [tilespmem:s11+$0x210]  }
0x15a: {  	v6 =	vor.u32 v22, v51;
	[tilespmem:v38+s23+$0x0] =	vst.idx.msk $0xffff, v17;
	v27 =	vld [tilespmem:s11+$0x290]  }
0x15b: {  	[tilespmem:v19+s23+$0x0] =	vst.idx.msk $0xffff, v14;
	v19 =	vld [tilespmem:s11+$0xFFFFFEB0]  }
0x15c: {  	[tilespmem:v31+s23+$0x0] =	vst.idx.msk $0xffff, v1;
	v31 =	vld [tilespmem:s11+$0x30]  }
0x15d: {  	[tilespmem:v61+s23+$0x0] =	vst.idx.msk $0xffff, v12;
	v12 =	vld [tilespmem:s11+$0xB0]  }
0x15e: {  	v14 =	vld [tilespmem:s11+$0x320]  }
0x15f: {  	[tilespmem:v6+s23+$0x0] =	vst.idx.msk $0xffff, v62;
	v6 =	vld [tilespmem:s11+$0x1B0]  }
0x160: {  	[tilespmem:v41+s23+$0x0] =	vst.idx.msk $0xffff, v7;
	v36 =	vld [tilespmem:s11+$0xFFFFFFB0]  }
0x161: {  	s10 =	sadd.s32 $0x10, s10;
	v7 =	vld [tilespmem:s11+$0xFFFFFCA0]  }
0x162: {  	p0 =	slt.u32 s10, $0xF0;
	v8 =	vor.u32 v8, v51;
	v20 =	vld [tilespmem:s11+$0xFFFFFD30];
	[tilespmem:v54+s23+$0x0] =	vst.idx.msk $0xffff, v58  }
.Ltmp5:
0x163: {  	[tilespmem:v29+s23+$0x0] =	vst.idx.msk $0xffff, v27;
	v27 =	vld [tilespmem:s11+$0xFFFFFDA0];
	(pc) =	sbr.rel @p0 .LBB2_11-.Ltmp5, $4  }
0x164: {  	v16 =	vor.u32 v25, v51;
	v25 =	vld [tilespmem:s11+$0x220];
	[tilespmem:v63+s23+$0x0] =	vst.idx.msk $0xffff, v14  }
0x165: {  	v35 =	vld [tilespmem:s11+$0x2A0];
	[tilespmem:v0+s23+$0x0] =	vst.idx.msk $0xffff, v12  }
0x166: {  	s2 =	smov.u32 s11;
	v14 =	vld [tilespmem:s11+$0x330];
	[tilespmem:v39+s23+$0x0] =	vst.idx.msk $0xffff, v7  }
0x167: {  	v4 =	vadd.s32 $0x10, v4;
	v28 =	vor.u32 v28, v51;
	v32 =	vor.u32 v32, v51;
	[tilespmem:v8+s23+$0x0] =	vst.idx.msk $0xffff, v6;
	s11 =	sadd.s32 $0x800, s11;
	v22 =	vld [tilespmem:s2+$0xFFFFFCB0]  }
0x168: {  	_ =	sdelay $0x3  }
0x169: {  	[tilespmem:v11+s23+$0x0] =	vst.idx.msk $0xffff, v27  }
0x16a: {  	[tilespmem:v33+s23+$0x0] =	vst.idx.msk $0xffff, v21  }
0x16b: {  	[tilespmem:v26+s23+$0x0] =	vst.idx.msk $0xffff, v36  }
0x16c: {  	[tilespmem:v28+s23+$0x0] =	vst.idx.msk $0xffff, v23  }
0x16d: {  	[tilespmem:v32+s23+$0x0] =	vst.idx.msk $0xffff, v31  }
0x16e: {  	[tilespmem:v18+s23+$0x0] =	vst.idx.msk $0xffff, v5  }
0x16f: {  	[tilespmem:v9+s23+$0x0] =	vst.idx.msk $0xffff, v20  }
0x170: {  	[tilespmem:v34+s23+$0x0] =	vst.idx.msk $0xffff, v25;
	v0 =	vld [tilespmem:s2+$0xFFFFFDB0]  }
0x171: {  	[tilespmem:v37+s23+$0x0] =	vst.idx.msk $0xffff, v35;
	v1 =	vld [tilespmem:s2+$0x230]  }
0x172: {  	[tilespmem:v16+s23+$0x0] =	vst.idx.msk $0xffff, v19;
	v4 =	vld [tilespmem:s2+$0x2B0]  }
0x173: {  	[tilespmem:v30+s23+$0x0] =	vst.idx.msk $0xffff, v14  }
0x174: {  	[tilespmem:v13+s23+$0x0] =	vst.idx.msk $0xffff, v22  }
0x175: {  	[tilespmem:v10+s23+$0x0] =	vst.idx.msk $0xffff, v0  }
0x176: {  	[tilespmem:v15+s23+$0x0] =	vst.idx.msk $0xffff, v1  }
0x177: {  	s0 =	sadd.s32 s0, s5;
	[tilespmem:v24+s23+$0x0] =	vst.idx.msk $0xffff, v4  }
0x178: {  	[hbm4b:s0+s1] =	stream.linear.scatter [tilespmem:s23], [sflag:$0x4], $0x800, $0x38;
	[tilespmem:$0x1F400] =	vst v63  }
0x179: {  	s10 =	sadd.s32 $0x4000, s0  }
0x17a: {  	[hbm4b:s10+s1] =	stream.linear.scatter [tilespmem:s24], [sflag:$0x4], $0x800, $0x38;
	[tilespmem:$0x1F400] =	vst v63  }
0x17b: {  	s11 =	sadd.s32 $0x8000, s0  }
0x17c: {  	[hbm4b:s11+s1] =	stream.linear.scatter [tilespmem:s25], [sflag:$0x4], $0x800, $0x38;
	[tilespmem:$0x1F400] =	vst v63  }
0x17d: {  	s10 =	sadd.s32 $0xC000, s0  }
0x17e: {  	[hbm4b:s10+s1] =	stream.linear.scatter [tilespmem:s26], [sflag:$0x4], $0x800, $0x38;
	[tilespmem:$0x1F400] =	vst v63  }
0x17f: {  	s6 =	sadd.s32 $0x1, s6;
	s11 =	sadd.s32 $0x10000, s0  }
0x180: {  	[hbm4b:s11+s1] =	stream.linear.scatter [tilespmem:s28], [sflag:$0x4], $0x800, $0x38;
	[tilespmem:$0x1F400] =	vst v63  }
0x181: {  	p0 =	sne.s32 s6, $0x1A;
	s10 =	sadd.s32 $0x14000, s0  }
0x182: {  	[hbm4b:s10+s1] =	stream.linear.scatter [tilespmem:s29], [sflag:$0x4], $0x800, $0x38;
	[tilespmem:$0x1F400] =	vst v63  }
.Ltmp6:
0x183: {  	_ = 	snop;
	(pc) =	sbr.rel @p0 .LBB2_4-.Ltmp6, $4  }
0x184: {  	s11 =	sadd.s32 $0x18000, s0  }
0x185: {  	[hbm4b:s11+s1] =	stream.linear.scatter [tilespmem:s30], [sflag:$0x4], $0x800, $0x38;
	[tilespmem:$0x1F400] =	vst v63  }
0x186: {  	s0 =	sadd.s32 $0x1C000, s0  }
0x187: {  	[hbm4b:s0+s1] =	stream.linear.scatter [tilespmem:s31], [sflag:$0x4], $0x800, $0x38;
	[tilespmem:$0x1F400] =	vst v63  }
0x188: {  	s0 =	simm.s32 $0x3  }
0x189: {  	_ =	swait.ge [sflag:s0], $0x4000  }
0x18a: {  	[sflag:s0] =	ssyncset.done $0x0  }
0x18b: {  	[sflag:s0] =	ssyncadd.s32 $0xFFFFC000  }
0x18c: {  	_ =	swait.ge [sflag:s22], $0x4000  }
0x18d: {  	s2 =	rddreg [dreg:$0x4]  }
0x18e: {  	s11 =	rddreg [dreg:$0x3];
	s2 =	sadd.s32 $0x1, s2  }
0x18f: {  	p0 =	sne.s32 s2, s11  }
.Ltmp7:
0x190: {  	_ = 	snop;
	(pc) =	sbr.rel @p0 .LBB2_1-.Ltmp7, $3  }
0x191: {  	_ =	sdelay $0x1  }
0x192: {  	[sflag:s22] =	ssyncset.done $0x0  }
0x193: {  	[sflag:s22] =	ssyncadd.s32 $0xFFFFC000  }
0x194: {  	_ =	sfence.sel $0x180000  }
0x195: {  	[bflag:$0x0] =	sbarrier.arrive $0xFFFF  }
0x196: {  	_ =	strace $0x90000047  }
0x197: {  	s0 =	stileid.u32;
	[bflag:$0x2] =	sbarrier.arrive $0xFFFF  }
0x198: {  	p0 =	sne.s32 s0, $0x0;
	s0 =	rddreg [dreg:$0x2]  }
0x199: {  	s0 =	sadd.s32 @!p0 $0x100000, s0  }
0x19a: {  	[sflag:s0] =	ssyncadd.tile.s32 @!p0 $0x1;
	_ =	shalt  }
.Lfunc_end2:
_tile_overlayer_lowered:
.L_overlay_start_2:
0x19b: {  	(tag) =	ssettag $0x2  }
0x19c: {  	s0 =	rddreg [dreg:$0x0];
	s2 =	stileid.u32  }
0x19d: {  	s1 =	rddreg [dreg:$0x1];
	p0 =	sne.s32 s2, $0x0  }
0x19e: {  	s3 =	rddreg [dreg:$0x2];
	[bflag:$0x3] =	sbarrier.arrive $0xFFFF;
	s2 =	simm.s32 @!p0 $0x1C05  }
0x19f: {  	[timem:s3], [sflag:s2] =	dma.local @!p0 [hbm:s0], s1  }
0x1a0: {  	s0 =	simm.s32 @!p0 $0x5  }
0x1a1: {  	_ =	swait.ge @!p0 [sflag:s0], s1  }
0x1a2: {  	s1 =	ssub.s32 @!p0 $0x0, s1;
	[sflag:s0] =	ssyncset.done @!p0 $0x0  }
0x1a3: {  	[sflag:s0] =	ssyncadd.s32 @!p0 s1  }
0x1a4: {  	[bflag:$0x3] =	sbarrier.arrive $0xFFFF  }
0x1a5: {  	_ =	shalt  }

</sc_bundles>
